<compile_context>
chip_gen: v7x
topology: tpu7x:2x2x1
jax: 0.10.2.dev20260603
libtpu: 0.0.44.dev20260713+nightly
codegen_flags: <defaults>
</compile_context>

<pallas_src>
import functools

import jax
import jax.numpy as jnp
from jax import lax
from jax.experimental import pallas as pl
from jax.experimental.pallas import tpu as pltpu
from jax.experimental.pallas import tpu_sc as plsc

N_NODES = 10000
N_PAD = 10240
D = 128
N_EDGES = 320000
NC = 2
NS = 16
NW = NC * NS
B = 128
CH = 80
E_PAD = NW * CH * B
ROWS_PER_TILE = N_PAD // NS
BM = 2000
ER = N_EDGES // B
ERP = E_PAD // B
EB = ERP // 5


def _prep_body(x_ref, src_ref, dst_ref, relux_ref, idx_ref):
    i = pl.program_id(0)
    relux_ref[...] = jnp.maximum(x_ref[...], 0.0)
    row = i * EB + jax.lax.broadcasted_iota(jnp.int32, (EB, B), 0)
    lane = jax.lax.broadcasted_iota(jnp.int32, (EB, B), 1)
    p = row * B + lane - N_EDGES
    pad_word = p | ((10000 + (p & 127)) << 16)
    real_word = src_ref[...] | (dst_ref[...] << 16)
    idx_ref[...] = jnp.where(row < ER, real_word, pad_word)


def _prep(x, src2, dst2):
    return pl.pallas_call(
        _prep_body,
        grid=(5,),
        in_specs=[
            pl.BlockSpec((BM, D), lambda i: (i, 0)),
            pl.BlockSpec((EB, B), lambda i: (i, 0)),
            pl.BlockSpec((EB, B), lambda i: (i, 0)),
        ],
        out_specs=[
            pl.BlockSpec((BM, D), lambda i: (i, 0)),
            pl.BlockSpec((EB, B), lambda i: (i, 0)),
        ],
        out_shape=[
            jax.ShapeDtypeStruct((N_PAD, D), jnp.float32),
            jax.ShapeDtypeStruct((ERP, B), jnp.int32),
        ],
    )(x, src2, dst2)


def _sc_agg_body(relux_hbm, idx_hbm, zeros_hbm, out_hbm,
                 idx_v, rows0, rows1, src0, src1, src2, src3,
                 dst0, dst1, dst2, dst3,
                 agg_sh, sem_g0, sem_g1, sem_z):
    c = lax.axis_index("c")
    s = lax.axis_index("s")
    wid = s * NC + c

    for z in range(ROWS_PER_TILE // 128):
        pltpu.async_copy(
            zeros_hbm,
            agg_sh.at[pl.ds(s * ROWS_PER_TILE + z * 128, 128)], sem_z)

    pltpu.sync_copy(idx_hbm.at[wid], idx_v)

    bufs = (rows0, rows1)
    sems_g = (sem_g0, sem_g1)
    srcs = (src0, src1, src2, src3)
    dsts = (dst0, dst1, dst2, dst3)

    def unpack(j, q):
        for k in range(B // 16):
            w = idx_v[j, pl.ds(k * 16, 16)]
            srcs[q][pl.ds(k * 16, 16)] = w & 0xFFFF
            dsts[q][pl.ds(k * 16, 16)] = lax.shift_right_logical(w, 16)

    def wait_gather(b):
        pltpu.make_async_copy(relux_hbm.at[srcs[0]], bufs[b], sems_g[b]).wait()

    def fire_gather(q, b):
        pltpu.async_copy(relux_hbm.at[srcs[q]], bufs[b], sems_g[b])

    unpack(0, 0)
    unpack(1, 1)
    fire_gather(0, 0)
    fire_gather(1, 1)
    for z in range(ROWS_PER_TILE // 128):
        pltpu.make_async_copy(
            zeros_hbm,
            agg_sh.at[pl.ds(s * ROWS_PER_TILE + z * 128, 128)], sem_z).wait()
    plsc.subcore_barrier()

    def step(i, carry):
        j = i * 4
        for q in range(4):
            b = q % 2
            jj = j + q

            @pl.when(jj + 2 < CH)
            def _():
                unpack(jj + 2, (q + 2) % 4)

            wait_gather(b)
            pltpu.sync_copy(bufs[b], agg_sh.at[dsts[q]], add=True)

            @pl.when(jj + 2 < CH)
            def _():
                fire_gather((q + 2) % 4, b)
        return carry

    lax.fori_loop(0, CH // 4, step, 0)
    plsc.subcore_barrier()

    r0 = s * ROWS_PER_TILE
    pltpu.sync_copy(agg_sh.at[pl.ds(r0, ROWS_PER_TILE)],
                    out_hbm.at[c].at[pl.ds(r0, ROWS_PER_TILE)])


_sc_agg = functools.partial(
    pl.kernel,
    out_type=jax.ShapeDtypeStruct((NC, N_PAD, D), jnp.float32),
    mesh=plsc.VectorSubcoreMesh(core_axis_name="c", subcore_axis_name="s"),
    scratch_types=[
        pltpu.VMEM((CH, B), jnp.int32),
        pltpu.VMEM((B, D), jnp.float32),
        pltpu.VMEM((B, D), jnp.float32),
        pltpu.VMEM((B,), jnp.int32),
        pltpu.VMEM((B,), jnp.int32),
        pltpu.VMEM((B,), jnp.int32),
        pltpu.VMEM((B,), jnp.int32),
        pltpu.VMEM((B,), jnp.int32),
        pltpu.VMEM((B,), jnp.int32),
        pltpu.VMEM((B,), jnp.int32),
        pltpu.VMEM((B,), jnp.int32),
        pltpu.VMEM_SHARED((N_PAD, D), jnp.float32),
        pltpu.SemaphoreType.DMA,
        pltpu.SemaphoreType.DMA,
        pltpu.SemaphoreType.DMA,
    ],
)(_sc_agg_body)


def _final_body(eps_ref, x_ref, a_ref, w_ref, b_ref, o_ref):
    h = (1.0 + eps_ref[0, 0]) * x_ref[...] + a_ref[0] + a_ref[1]
    y = lax.dot_general(h, w_ref[...], (((1,), (1,)), ((), ())),
                        preferred_element_type=jnp.float32)
    o_ref[...] = jnp.maximum(y + b_ref[...], 0.0)


def _final(eps2, x, agg2, W, b2):
    return pl.pallas_call(
        _final_body,
        grid=(N_NODES // BM,),
        in_specs=[
            pl.BlockSpec(memory_space=pltpu.SMEM),
            pl.BlockSpec((BM, D), lambda i: (i, 0)),
            pl.BlockSpec((2, BM, D), lambda i: (0, i, 0)),
            pl.BlockSpec((D, D), lambda i: (0, 0)),
            pl.BlockSpec((1, D), lambda i: (0, 0)),
        ],
        out_specs=pl.BlockSpec((BM, D), lambda i: (i, 0)),
        out_shape=jax.ShapeDtypeStruct((N_NODES, D), jnp.float32),
    )(eps2, x, agg2, W, b2)


def kernel(x, edge_index, W, b, eps):
    src2 = edge_index[0].astype(jnp.int32).reshape(ER, B)
    dst2 = edge_index[1].astype(jnp.int32).reshape(ER, B)
    relux, packed = _prep(x, src2, dst2)
    zeros = jnp.zeros((128, D), jnp.float32)
    agg2 = _sc_agg(relux, packed.reshape(NW, CH, B), zeros)
    return _final(eps.reshape(1, 1), x, agg2, W, b.reshape(1, D))

# --- scband reference (transcript-rebuilt; emitter-appended) ---
"""Pipeline reference for scband-gine-4879082848574 (READ-ONLY COPY).

The authoritative reference and input builder live on the scoring server;
editing this copy changes nothing except your own understanding.
"""

import jax, jax.numpy as jnp
import numpy as np

N_NODES = 10000
N_EDGES = 320000
D_IN = 128
D_OUT = 128

def setup_inputs(seed: int = 0) -> dict:
    key = jax.random.key(seed)
    k1, k2, k3 = jax.random.split(key, 3)
    x = jax.random.normal(k1, (N_NODES, D_IN), dtype=jnp.float32)
    edge_index = jax.random.randint(k2, (2, N_EDGES), 0, N_NODES, dtype=jnp.int64)
    # Linear(input_dim, output_dim) params (PyTorch default init)
    bound = 1.0 / np.sqrt(D_IN)
    kW, kb = jax.random.split(k3)
    W = jax.random.uniform(kW, (D_OUT, D_IN), minval=-bound, maxval=bound, dtype=jnp.float32)
    b = jax.random.uniform(kb, (D_OUT,), minval=-bound, maxval=bound, dtype=jnp.float32)
    eps = jnp.zeros((), dtype=jnp.float32)  # train_eps=True, initialized to 0
    return {"x": x, "edge_index": edge_index, "W": W, "b": b, "eps": eps}

def reference(x, edge_index, W, b, eps):
    # GINEConv without edge_attr: message = relu(x_j); aggregate = sum over incoming edges
    src = edge_index[0]
    dst = edge_index[1]
    msg = jax.nn.relu(jnp.take(x, src, axis=0))
    agg = jax.ops.segment_sum(msg, dst, num_segments=N_NODES)
    h = (1.0 + eps) * x + agg
    out = h @ W.T + b
    return jax.nn.relu(out)

if __name__ == "__main__":
    import jax
    _d = setup_inputs()
    print(jax.jit(kernel)(*tuple(_d.values())))

</pallas_src>

<mosaic_0001>
#map = affine_map<(d0, d1) -> (0, 0)>
#map1 = affine_map<(d0, d1) -> (0, 0, 0)>
module attributes {stable_mosaic.version = 14 : i64} {
  func.func @_sc_agg_body(%arg0: i32, %arg1: i32, %arg2: memref<10240x128xf32, #tpu.memory_space<hbm>>, %arg3: memref<32x80x128xi32, #tpu.memory_space<hbm>>, %arg4: memref<128x128xf32, #tpu.memory_space<hbm>>, %arg5: memref<2x10240x128xf32, #tpu.memory_space<hbm>>, %arg6: memref<80x128xi32, #tpu.memory_space<vmem>>, %arg7: memref<128x128xf32, #tpu.memory_space<vmem>>, %arg8: memref<128x128xf32, #tpu.memory_space<vmem>>, %arg9: memref<128xi32, #tpu.memory_space<vmem>>, %arg10: memref<128xi32, #tpu.memory_space<vmem>>, %arg11: memref<128xi32, #tpu.memory_space<vmem>>, %arg12: memref<128xi32, #tpu.memory_space<vmem>>, %arg13: memref<128xi32, #tpu.memory_space<vmem>>, %arg14: memref<128xi32, #tpu.memory_space<vmem>>, %arg15: memref<128xi32, #tpu.memory_space<vmem>>, %arg16: memref<128xi32, #tpu.memory_space<vmem>>, %arg17: memref<10240x128xf32, #tpu.memory_space<vmem_shared>>, %arg18: memref<!tpu.dma_semaphore, #tpu.memory_space<semaphore_mem>>, %arg19: memref<!tpu.dma_semaphore, #tpu.memory_space<semaphore_mem>>, %arg20: memref<!tpu.dma_semaphore, #tpu.memory_space<semaphore_mem>>) attributes {dimension_semantics = [#tpu.dimension_semantics<core_parallel>, #tpu.dimension_semantics<subcore_parallel>], iteration_bounds = array<i64: 2, 16>, scalar_prefetch = 0 : i64, scratch_operands = 15 : i64, tpu.core_type = #tpu.core_type<sc_vector_subcore>, window_params = [{transform_indices = #map}, {transform_indices = #map1}, {transform_indices = #map}, {transform_indices = #map1}]} {
    %mul3A = arith.constant 2 : i32
    %mul3A_0 = arith.muli %arg1, %mul3A : i32
    %add3A = arith.addi %mul3A_0, %arg0 : i32
    %mul3A_1 = arith.constant 640 : i32
    %mul3A_2 = arith.muli %arg1, %mul3A_1 : i32
    %add3A_3 = arith.constant 0 : i32
    %add3A_4 = arith.addi %mul3A_2, %add3A_3 : i32
    %dma_start3A = arith.constant 0 : i32
    %dma_start3A_5 = tpu.memref_slice %arg17[%add3A_4, %dma_start3A] : memref<10240x128xf32, #tpu.memory_space<vmem_shared>> -> memref<128x128xf32, #tpu.memory_space<vmem_shared>>
    tpu.enqueue_dma source(%arg4 : memref<128x128xf32, #tpu.memory_space<hbm>>) target(%dma_start3A_5 : memref<128x128xf32, #tpu.memory_space<vmem_shared>>) target_semaphore(%arg20 : memref<!tpu.dma_semaphore, #tpu.memory_space<semaphore_mem>>)
    %mul3A_6 = arith.constant 640 : i32
    %mul3A_7 = arith.muli %arg1, %mul3A_6 : i32
    %add3A_8 = arith.constant 128 : i32
    %add3A_9 = arith.addi %mul3A_7, %add3A_8 : i32
    %dma_start3A_10 = arith.constant 0 : i32
    %dma_start3A_11 = tpu.memref_slice %arg17[%add3A_9, %dma_start3A_10] : memref<10240x128xf32, #tpu.memory_space<vmem_shared>> -> memref<128x128xf32, #tpu.memory_space<vmem_shared>>
    tpu.enqueue_dma source(%arg4 : memref<128x128xf32, #tpu.memory_space<hbm>>) target(%dma_start3A_11 : memref<128x128xf32, #tpu.memory_space<vmem_shared>>) target_semaphore(%arg20 : memref<!tpu.dma_semaphore, #tpu.memory_space<semaphore_mem>>)
    %mul3A_12 = arith.constant 640 : i32
    %mul3A_13 = arith.muli %arg1, %mul3A_12 : i32
    %add3A_14 = arith.constant 256 : i32
    %add3A_15 = arith.addi %mul3A_13, %add3A_14 : i32
    %dma_start3A_16 = arith.constant 0 : i32
    %dma_start3A_17 = tpu.memref_slice %arg17[%add3A_15, %dma_start3A_16] : memref<10240x128xf32, #tpu.memory_space<vmem_shared>> -> memref<128x128xf32, #tpu.memory_space<vmem_shared>>
    tpu.enqueue_dma source(%arg4 : memref<128x128xf32, #tpu.memory_space<hbm>>) target(%dma_start3A_17 : memref<128x128xf32, #tpu.memory_space<vmem_shared>>) target_semaphore(%arg20 : memref<!tpu.dma_semaphore, #tpu.memory_space<semaphore_mem>>)
    %mul3A_18 = arith.constant 640 : i32
    %mul3A_19 = arith.muli %arg1, %mul3A_18 : i32
    %add3A_20 = arith.constant 384 : i32
    %add3A_21 = arith.addi %mul3A_19, %add3A_20 : i32
    %dma_start3A_22 = arith.constant 0 : i32
    %dma_start3A_23 = tpu.memref_slice %arg17[%add3A_21, %dma_start3A_22] : memref<10240x128xf32, #tpu.memory_space<vmem_shared>> -> memref<128x128xf32, #tpu.memory_space<vmem_shared>>
    tpu.enqueue_dma source(%arg4 : memref<128x128xf32, #tpu.memory_space<hbm>>) target(%dma_start3A_23 : memref<128x128xf32, #tpu.memory_space<vmem_shared>>) target_semaphore(%arg20 : memref<!tpu.dma_semaphore, #tpu.memory_space<semaphore_mem>>)
    %mul3A_24 = arith.constant 640 : i32
    %mul3A_25 = arith.muli %arg1, %mul3A_24 : i32
    %add3A_26 = arith.constant 512 : i32
    %add3A_27 = arith.addi %mul3A_25, %add3A_26 : i32
    %dma_start3A_28 = arith.constant 0 : i32
    %dma_start3A_29 = tpu.memref_slice %arg17[%add3A_27, %dma_start3A_28] : memref<10240x128xf32, #tpu.memory_space<vmem_shared>> -> memref<128x128xf32, #tpu.memory_space<vmem_shared>>
    tpu.enqueue_dma source(%arg4 : memref<128x128xf32, #tpu.memory_space<hbm>>) target(%dma_start3A_29 : memref<128x128xf32, #tpu.memory_space<vmem_shared>>) target_semaphore(%arg20 : memref<!tpu.dma_semaphore, #tpu.memory_space<semaphore_mem>>)
    "tpu.region"() ({
      %run_scoped3A = tpu.sem_alloc : memref<!tpu.dma_semaphore, #tpu.memory_space<semaphore_mem>>
      %dma_start3A_373 = arith.constant 0 : i32
      %dma_start3A_374 = arith.constant 0 : i32
      %dma_start3A_375 = tpu.memref_slice %arg3[%add3A, %dma_start3A_373, %dma_start3A_374] : memref<32x80x128xi32, #tpu.memory_space<hbm>> -> memref<1x80x128xi32, #tpu.memory_space<hbm>>
      %dma_start3A_376 = tpu.memref_squeeze %dma_start3A_375 : memref<1x80x128xi32, #tpu.memory_space<hbm>> -> memref<80x128xi32, #tpu.memory_space<hbm>>
      %dma_start3A_377 = arith.constant 0 : i32
      %dma_start3A_378 = arith.constant 0 : i32
      %dma_start3A_379 = tpu.memref_slice %arg3[%add3A, %dma_start3A_377, %dma_start3A_378] : memref<32x80x128xi32, #tpu.memory_space<hbm>> -> memref<1x80x128xi32, #tpu.memory_space<hbm>>
      %dma_start3A_380 = tpu.memref_squeeze %dma_start3A_379 : memref<1x80x128xi32, #tpu.memory_space<hbm>> -> memref<80x128xi32, #tpu.memory_space<hbm>>
      tpu.enqueue_dma source(%dma_start3A_380 : memref<80x128xi32, #tpu.memory_space<hbm>>) target(%arg6 : memref<80x128xi32, #tpu.memory_space<vmem>>) target_semaphore(%run_scoped3A : memref<!tpu.dma_semaphore, #tpu.memory_space<semaphore_mem>>)
      %dma_wait3A_381 = arith.constant 0 : i32
      %dma_wait3A_382 = arith.constant 0 : i32
      %dma_wait3A_383 = tpu.memref_slice %arg3[%add3A, %dma_wait3A_381, %dma_wait3A_382] : memref<32x80x128xi32, #tpu.memory_space<hbm>> -> memref<1x80x128xi32, #tpu.memory_space<hbm>>
      %dma_wait3A_384 = tpu.memref_squeeze %dma_wait3A_383 : memref<1x80x128xi32, #tpu.memory_space<hbm>> -> memref<80x128xi32, #tpu.memory_space<hbm>>
      %dma_wait3A_385 = arith.constant 0 : i32
      %dma_wait3A_386 = arith.constant 0 : i32
      %dma_wait3A_387 = tpu.memref_slice %arg3[%add3A, %dma_wait3A_385, %dma_wait3A_386] : memref<32x80x128xi32, #tpu.memory_space<hbm>> -> memref<1x80x128xi32, #tpu.memory_space<hbm>>
      %dma_wait3A_388 = tpu.memref_squeeze %dma_wait3A_387 : memref<1x80x128xi32, #tpu.memory_space<hbm>> -> memref<80x128xi32, #tpu.memory_space<hbm>>
      tpu.wait_dma2 semaphore(%run_scoped3A : memref<!tpu.dma_semaphore, #tpu.memory_space<semaphore_mem>>) src(%dma_wait3A_388 : memref<80x128xi32, #tpu.memory_space<hbm>>) dst(%arg6 : memref<80x128xi32, #tpu.memory_space<vmem>>)
      tpu.yield
    }) : () -> ()
    %get3A = arith.constant 0 : i32
    %get3A_30 = arith.index_cast %get3A : i32 to index
    %get3A_31 = arith.constant 0 : index
    %get3A_32 = tpu.vector_load %arg6[%get3A_30, %get3A_31] {strides = array<i32>} : memref<80x128xi32, #tpu.memory_space<vmem>>, vector<1x16xi32>,
    %get3A_33 = vector.shape_cast %get3A_32 : vector<1x16xi32> to vector<16xi32>
    %and3A = arith.constant 65535 : i32
    %and3A_34 = vector.broadcast %and3A : i32 to vector<16xi32>
    %and3A_35 = arith.andi %get3A_33, %and3A_34 : vector<16xi32>
    %swap3A = arith.constant 0 : index
    %swap3A_36 = tpu.vector_load %arg9[%swap3A] {strides = array<i32>} : memref<128xi32, #tpu.memory_space<vmem>>, vector<16xi32>,
    %swap3A_37 = vector.shape_cast %swap3A_36 : vector<16xi32> to vector<16xi32>
    %swap3A_38 = vector.shape_cast %and3A_35 : vector<16xi32> to vector<16xi32>
    tpu.vector_store %arg9[%swap3A], %swap3A_38 {strides = array<i32>} : memref<128xi32, #tpu.memory_space<vmem>>, vector<16xi32>,
    %shift_right_logical3A = arith.constant 16 : i32
    %shift_right_logical3A_39 = vector.broadcast %shift_right_logical3A : i32 to vector<16xi32>
    %shift_right_logical3A_40 = arith.shrui %get3A_33, %shift_right_logical3A_39 : vector<16xi32>
    %swap3A_41 = arith.constant 0 : index
    %swap3A_42 = tpu.vector_load %arg13[%swap3A_41] {strides = array<i32>} : memref<128xi32, #tpu.memory_space<vmem>>, vector<16xi32>,
    %swap3A_43 = vector.shape_cast %swap3A_42 : vector<16xi32> to vector<16xi32>
    %swap3A_44 = vector.shape_cast %shift_right_logical3A_40 : vector<16xi32> to vector<16xi32>
    tpu.vector_store %arg13[%swap3A_41], %swap3A_44 {strides = array<i32>} : memref<128xi32, #tpu.memory_space<vmem>>, vector<16xi32>,
    %get3A_45 = arith.constant 0 : i32
    %get3A_46 = arith.index_cast %get3A_45 : i32 to index
    %get3A_47 = arith.constant 16 : index
    %get3A_48 = tpu.vector_load %arg6[%get3A_46, %get3A_47] {strides = array<i32>} : memref<80x128xi32, #tpu.memory_space<vmem>>, vector<1x16xi32>,
    %get3A_49 = vector.shape_cast %get3A_48 : vector<1x16xi32> to vector<16xi32>
    %and3A_50 = arith.constant 65535 : i32
    %and3A_51 = vector.broadcast %and3A_50 : i32 to vector<16xi32>
    %and3A_52 = arith.andi %get3A_49, %and3A_51 : vector<16xi32>
    %swap3A_53 = arith.constant 16 : index
    %swap3A_54 = tpu.vector_load %arg9[%swap3A_53] {strides = array<i32>} : memref<128xi32, #tpu.memory_space<vmem>>, vector<16xi32>,
    %swap3A_55 = vector.shape_cast %swap3A_54 : vector<16xi32> to vector<16xi32>
    %swap3A_56 = vector.shape_cast %and3A_52 : vector<16xi32> to vector<16xi32>
    tpu.vector_store %arg9[%swap3A_53], %swap3A_56 {strides = array<i32>} : memref<128xi32, #tpu.memory_space<vmem>>, vector<16xi32>,
    %shift_right_logical3A_57 = arith.constant 16 : i32
    %shift_right_logical3A_58 = vector.broadcast %shift_right_logical3A_57 : i32 to vector<16xi32>
    %shift_right_logical3A_59 = arith.shrui %get3A_49, %shift_right_logical3A_58 : vector<16xi32>
    %swap3A_60 = arith.constant 16 : index
    %swap3A_61 = tpu.vector_load %arg13[%swap3A_60] {strides = array<i32>} : memref<128xi32, #tpu.memory_space<vmem>>, vector<16xi32>,
    %swap3A_62 = vector.shape_cast %swap3A_61 : vector<16xi32> to vector<16xi32>
    %swap3A_63 = vector.shape_cast %shift_right_logical3A_59 : vector<16xi32> to vector<16xi32>
    tpu.vector_store %arg13[%swap3A_60], %swap3A_63 {strides = array<i32>} : memref<128xi32, #tpu.memory_space<vmem>>, vector<16xi32>,
    %get3A_64 = arith.constant 0 : i32
    %get3A_65 = arith.index_cast %get3A_64 : i32 to index
    %get3A_66 = arith.constant 32 : index
    %get3A_67 = tpu.vector_load %arg6[%get3A_65, %get3A_66] {strides = array<i32>} : memref<80x128xi32, #tpu.memory_space<vmem>>, vector<1x16xi32>,
    %get3A_68 = vector.shape_cast %get3A_67 : vector<1x16xi32> to vector<16xi32>
    %and3A_69 = arith.constant 65535 : i32
    %and3A_70 = vector.broadcast %and3A_69 : i32 to vector<16xi32>
    %and3A_71 = arith.andi %get3A_68, %and3A_70 : vector<16xi32>
    %swap3A_72 = arith.constant 32 : index
    %swap3A_73 = tpu.vector_load %arg9[%swap3A_72] {strides = array<i32>} : memref<128xi32, #tpu.memory_space<vmem>>, vector<16xi32>,
    %swap3A_74 = vector.shape_cast %swap3A_73 : vector<16xi32> to vector<16xi32>
    %swap3A_75 = vector.shape_cast %and3A_71 : vector<16xi32> to vector<16xi32>
    tpu.vector_store %arg9[%swap3A_72], %swap3A_75 {strides = array<i32>} : memref<128xi32, #tpu.memory_space<vmem>>, vector<16xi32>,
    %shift_right_logical3A_76 = arith.constant 16 : i32
    %shift_right_logical3A_77 = vector.broadcast %shift_right_logical3A_76 : i32 to vector<16xi32>
    %shift_right_logical3A_78 = arith.shrui %get3A_68, %shift_right_logical3A_77 : vector<16xi32>
    %swap3A_79 = arith.constant 32 : index
    %swap3A_80 = tpu.vector_load %arg13[%swap3A_79] {strides = array<i32>} : memref<128xi32, #tpu.memory_space<vmem>>, vector<16xi32>,
    %swap3A_81 = vector.shape_cast %swap3A_80 : vector<16xi32> to vector<16xi32>
    %swap3A_82 = vector.shape_cast %shift_right_logical3A_78 : vector<16xi32> to vector<16xi32>
    tpu.vector_store %arg13[%swap3A_79], %swap3A_82 {strides = array<i32>} : memref<128xi32, #tpu.memory_space<vmem>>, vector<16xi32>,
    %get3A_83 = arith.constant 0 : i32
    %get3A_84 = arith.index_cast %get3A_83 : i32 to index
    %get3A_85 = arith.constant 48 : index
    %get3A_86 = tpu.vector_load %arg6[%get3A_84, %get3A_85] {strides = array<i32>} : memref<80x128xi32, #tpu.memory_space<vmem>>, vector<1x16xi32>,
    %get3A_87 = vector.shape_cast %get3A_86 : vector<1x16xi32> to vector<16xi32>
    %and3A_88 = arith.constant 65535 : i32
    %and3A_89 = vector.broadcast %and3A_88 : i32 to vector<16xi32>
    %and3A_90 = arith.andi %get3A_87, %and3A_89 : vector<16xi32>
    %swap3A_91 = arith.constant 48 : index
    %swap3A_92 = tpu.vector_load %arg9[%swap3A_91] {strides = array<i32>} : memref<128xi32, #tpu.memory_space<vmem>>, vector<16xi32>,
    %swap3A_93 = vector.shape_cast %swap3A_92 : vector<16xi32> to vector<16xi32>
    %swap3A_94 = vector.shape_cast %and3A_90 : vector<16xi32> to vector<16xi32>
    tpu.vector_store %arg9[%swap3A_91], %swap3A_94 {strides = array<i32>} : memref<128xi32, #tpu.memory_space<vmem>>, vector<16xi32>,
    %shift_right_logical3A_95 = arith.constant 16 : i32
    %shift_right_logical3A_96 = vector.broadcast %shift_right_logical3A_95 : i32 to vector<16xi32>
    %shift_right_logical3A_97 = arith.shrui %get3A_87, %shift_right_logical3A_96 : vector<16xi32>
    %swap3A_98 = arith.constant 48 : index
    %swap3A_99 = tpu.vector_load %arg13[%swap3A_98] {strides = array<i32>} : memref<128xi32, #tpu.memory_space<vmem>>, vector<16xi32>,
    %swap3A_100 = vector.shape_cast %swap3A_99 : vector<16xi32> to vector<16xi32>
    %swap3A_101 = vector.shape_cast %shift_right_logical3A_97 : vector<16xi32> to vector<16xi32>
    tpu.vector_store %arg13[%swap3A_98], %swap3A_101 {strides = array<i32>} : memref<128xi32, #tpu.memory_space<vmem>>, vector<16xi32>,
    %get3A_102 = arith.constant 0 : i32
    %get3A_103 = arith.index_cast %get3A_102 : i32 to index
    %get3A_104 = arith.constant 64 : index
    %get3A_105 = tpu.vector_load %arg6[%get3A_103, %get3A_104] {strides = array<i32>} : memref<80x128xi32, #tpu.memory_space<vmem>>, vector<1x16xi32>,
    %get3A_106 = vector.shape_cast %get3A_105 : vector<1x16xi32> to vector<16xi32>
    %and3A_107 = arith.constant 65535 : i32
    %and3A_108 = vector.broadcast %and3A_107 : i32 to vector<16xi32>
    %and3A_109 = arith.andi %get3A_106, %and3A_108 : vector<16xi32>
    %swap3A_110 = arith.constant 64 : index
    %swap3A_111 = tpu.vector_load %arg9[%swap3A_110] {strides = array<i32>} : memref<128xi32, #tpu.memory_space<vmem>>, vector<16xi32>,
    %swap3A_112 = vector.shape_cast %swap3A_111 : vector<16xi32> to vector<16xi32>
    %swap3A_113 = vector.shape_cast %and3A_109 : vector<16xi32> to vector<16xi32>
    tpu.vector_store %arg9[%swap3A_110], %swap3A_113 {strides = array<i32>} : memref<128xi32, #tpu.memory_space<vmem>>, vector<16xi32>,
    %shift_right_logical3A_114 = arith.constant 16 : i32
    %shift_right_logical3A_115 = vector.broadcast %shift_right_logical3A_114 : i32 to vector<16xi32>
    %shift_right_logical3A_116 = arith.shrui %get3A_106, %shift_right_logical3A_115 : vector<16xi32>
    %swap3A_117 = arith.constant 64 : index
    %swap3A_118 = tpu.vector_load %arg13[%swap3A_117] {strides = array<i32>} : memref<128xi32, #tpu.memory_space<vmem>>, vector<16xi32>,
    %swap3A_119 = vector.shape_cast %swap3A_118 : vector<16xi32> to vector<16xi32>
    %swap3A_120 = vector.shape_cast %shift_right_logical3A_116 : vector<16xi32> to vector<16xi32>
    tpu.vector_store %arg13[%swap3A_117], %swap3A_120 {strides = array<i32>} : memref<128xi32, #tpu.memory_space<vmem>>, vector<16xi32>,
    %get3A_121 = arith.constant 0 : i32
    %get3A_122 = arith.index_cast %get3A_121 : i32 to index
    %get3A_123 = arith.constant 80 : index
    %get3A_124 = tpu.vector_load %arg6[%get3A_122, %get3A_123] {strides = array<i32>} : memref<80x128xi32, #tpu.memory_space<vmem>>, vector<1x16xi32>,
    %get3A_125 = vector.shape_cast %get3A_124 : vector<1x16xi32> to vector<16xi32>
    %and3A_126 = arith.constant 65535 : i32
    %and3A_127 = vector.broadcast %and3A_126 : i32 to vector<16xi32>
    %and3A_128 = arith.andi %get3A_125, %and3A_127 : vector<16xi32>
    %swap3A_129 = arith.constant 80 : index
    %swap3A_130 = tpu.vector_load %arg9[%swap3A_129] {strides = array<i32>} : memref<128xi32, #tpu.memory_space<vmem>>, vector<16xi32>,
    %swap3A_131 = vector.shape_cast %swap3A_130 : vector<16xi32> to vector<16xi32>
    %swap3A_132 = vector.shape_cast %and3A_128 : vector<16xi32> to vector<16xi32>
    tpu.vector_store %arg9[%swap3A_129], %swap3A_132 {strides = array<i32>} : memref<128xi32, #tpu.memory_space<vmem>>, vector<16xi32>,
    %shift_right_logical3A_133 = arith.constant 16 : i32
    %shift_right_logical3A_134 = vector.broadcast %shift_right_logical3A_133 : i32 to vector<16xi32>
    %shift_right_logical3A_135 = arith.shrui %get3A_125, %shift_right_logical3A_134 : vector<16xi32>
    %swap3A_136 = arith.constant 80 : index
    %swap3A_137 = tpu.vector_load %arg13[%swap3A_136] {strides = array<i32>} : memref<128xi32, #tpu.memory_space<vmem>>, vector<16xi32>,
    %swap3A_138 = vector.shape_cast %swap3A_137 : vector<16xi32> to vector<16xi32>
    %swap3A_139 = vector.shape_cast %shift_right_logical3A_135 : vector<16xi32> to vector<16xi32>
    tpu.vector_store %arg13[%swap3A_136], %swap3A_139 {strides = array<i32>} : memref<128xi32, #tpu.memory_space<vmem>>, vector<16xi32>,
    %get3A_140 = arith.constant 0 : i32
    %get3A_141 = arith.index_cast %get3A_140 : i32 to index
    %get3A_142 = arith.constant 96 : index
    %get3A_143 = tpu.vector_load %arg6[%get3A_141, %get3A_142] {strides = array<i32>} : memref<80x128xi32, #tpu.memory_space<vmem>>, vector<1x16xi32>,
    %get3A_144 = vector.shape_cast %get3A_143 : vector<1x16xi32> to vector<16xi32>
    %and3A_145 = arith.constant 65535 : i32
    %and3A_146 = vector.broadcast %and3A_145 : i32 to vector<16xi32>
    %and3A_147 = arith.andi %get3A_144, %and3A_146 : vector<16xi32>
    %swap3A_148 = arith.constant 96 : index
    %swap3A_149 = tpu.vector_load %arg9[%swap3A_148] {strides = array<i32>} : memref<128xi32, #tpu.memory_space<vmem>>, vector<16xi32>,
    %swap3A_150 = vector.shape_cast %swap3A_149 : vector<16xi32> to vector<16xi32>
    %swap3A_151 = vector.shape_cast %and3A_147 : vector<16xi32> to vector<16xi32>
    tpu.vector_store %arg9[%swap3A_148], %swap3A_151 {strides = array<i32>} : memref<128xi32, #tpu.memory_space<vmem>>, vector<16xi32>,
    %shift_right_logical3A_152 = arith.constant 16 : i32
    %shift_right_logical3A_153 = vector.broadcast %shift_right_logical3A_152 : i32 to vector<16xi32>
    %shift_right_logical3A_154 = arith.shrui %get3A_144, %shift_right_logical3A_153 : vector<16xi32>
    %swap3A_155 = arith.constant 96 : index
    %swap3A_156 = tpu.vector_load %arg13[%swap3A_155] {strides = array<i32>} : memref<128xi32, #tpu.memory_space<vmem>>, vector<16xi32>,
    %swap3A_157 = vector.shape_cast %swap3A_156 : vector<16xi32> to vector<16xi32>
    %swap3A_158 = vector.shape_cast %shift_right_logical3A_154 : vector<16xi32> to vector<16xi32>
    tpu.vector_store %arg13[%swap3A_155], %swap3A_158 {strides = array<i32>} : memref<128xi32, #tpu.memory_space<vmem>>, vector<16xi32>,
    %get3A_159 = arith.constant 0 : i32
    %get3A_160 = arith.index_cast %get3A_159 : i32 to index
    %get3A_161 = arith.constant 112 : index
    %get3A_162 = tpu.vector_load %arg6[%get3A_160, %get3A_161] {strides = array<i32>} : memref<80x128xi32, #tpu.memory_space<vmem>>, vector<1x16xi32>,
    %get3A_163 = vector.shape_cast %get3A_162 : vector<1x16xi32> to vector<16xi32>
    %and3A_164 = arith.constant 65535 : i32
    %and3A_165 = vector.broadcast %and3A_164 : i32 to vector<16xi32>
    %and3A_166 = arith.andi %get3A_163, %and3A_165 : vector<16xi32>
    %swap3A_167 = arith.constant 112 : index
    %swap3A_168 = tpu.vector_load %arg9[%swap3A_167] {strides = array<i32>} : memref<128xi32, #tpu.memory_space<vmem>>, vector<16xi32>,
    %swap3A_169 = vector.shape_cast %swap3A_168 : vector<16xi32> to vector<16xi32>
    %swap3A_170 = vector.shape_cast %and3A_166 : vector<16xi32> to vector<16xi32>
    tpu.vector_store %arg9[%swap3A_167], %swap3A_170 {strides = array<i32>} : memref<128xi32, #tpu.memory_space<vmem>>, vector<16xi32>,
    %shift_right_logical3A_171 = arith.constant 16 : i32
    %shift_right_logical3A_172 = vector.broadcast %shift_right_logical3A_171 : i32 to vector<16xi32>
    %shift_right_logical3A_173 = arith.shrui %get3A_163, %shift_right_logical3A_172 : vector<16xi32>
    %swap3A_174 = arith.constant 112 : index
    %swap3A_175 = tpu.vector_load %arg13[%swap3A_174] {strides = array<i32>} : memref<128xi32, #tpu.memory_space<vmem>>, vector<16xi32>,
    %swap3A_176 = vector.shape_cast %swap3A_175 : vector<16xi32> to vector<16xi32>
    %swap3A_177 = vector.shape_cast %shift_right_logical3A_173 : vector<16xi32> to vector<16xi32>
    tpu.vector_store %arg13[%swap3A_174], %swap3A_177 {strides = array<i32>} : memref<128xi32, #tpu.memory_space<vmem>>, vector<16xi32>,
    %get3A_178 = arith.constant 1 : i32
    %get3A_179 = arith.index_cast %get3A_178 : i32 to index
    %get3A_180 = arith.constant 0 : index
    %get3A_181 = tpu.vector_load %arg6[%get3A_179, %get3A_180] {strides = array<i32>} : memref<80x128xi32, #tpu.memory_space<vmem>>, vector<1x16xi32>,
    %get3A_182 = vector.shape_cast %get3A_181 : vector<1x16xi32> to vector<16xi32>
    %and3A_183 = arith.constant 65535 : i32
    %and3A_184 = vector.broadcast %and3A_183 : i32 to vector<16xi32>
    %and3A_185 = arith.andi %get3A_182, %and3A_184 : vector<16xi32>
    %swap3A_186 = arith.constant 0 : index
    %swap3A_187 = tpu.vector_load %arg10[%swap3A_186] {strides = array<i32>} : memref<128xi32, #tpu.memory_space<vmem>>, vector<16xi32>,
    %swap3A_188 = vector.shape_cast %swap3A_187 : vector<16xi32> to vector<16xi32>
    %swap3A_189 = vector.shape_cast %and3A_185 : vector<16xi32> to vector<16xi32>
    tpu.vector_store %arg10[%swap3A_186], %swap3A_189 {strides = array<i32>} : memref<128xi32, #tpu.memory_space<vmem>>, vector<16xi32>,
    %shift_right_logical3A_190 = arith.constant 16 : i32
    %shift_right_logical3A_191 = vector.broadcast %shift_right_logical3A_190 : i32 to vector<16xi32>
    %shift_right_logical3A_192 = arith.shrui %get3A_182, %shift_right_logical3A_191 : vector<16xi32>
    %swap3A_193 = arith.constant 0 : index
    %swap3A_194 = tpu.vector_load %arg14[%swap3A_193] {strides = array<i32>} : memref<128xi32, #tpu.memory_space<vmem>>, vector<16xi32>,
    %swap3A_195 = vector.shape_cast %swap3A_194 : vector<16xi32> to vector<16xi32>
    %swap3A_196 = vector.shape_cast %shift_right_logical3A_192 : vector<16xi32> to vector<16xi32>
    tpu.vector_store %arg14[%swap3A_193], %swap3A_196 {strides = array<i32>} : memref<128xi32, #tpu.memory_space<vmem>>, vector<16xi32>,
    %get3A_197 = arith.constant 1 : i32
    %get3A_198 = arith.index_cast %get3A_197 : i32 to index
    %get3A_199 = arith.constant 16 : index
    %get3A_200 = tpu.vector_load %arg6[%get3A_198, %get3A_199] {strides = array<i32>} : memref<80x128xi32, #tpu.memory_space<vmem>>, vector<1x16xi32>,
    %get3A_201 = vector.shape_cast %get3A_200 : vector<1x16xi32> to vector<16xi32>
    %and3A_202 = arith.constant 65535 : i32
    %and3A_203 = vector.broadcast %and3A_202 : i32 to vector<16xi32>
    %and3A_204 = arith.andi %get3A_201, %and3A_203 : vector<16xi32>
    %swap3A_205 = arith.constant 16 : index
    %swap3A_206 = tpu.vector_load %arg10[%swap3A_205] {strides = array<i32>} : memref<128xi32, #tpu.memory_space<vmem>>, vector<16xi32>,
    %swap3A_207 = vector.shape_cast %swap3A_206 : vector<16xi32> to vector<16xi32>
    %swap3A_208 = vector.shape_cast %and3A_204 : vector<16xi32> to vector<16xi32>
    tpu.vector_store %arg10[%swap3A_205], %swap3A_208 {strides = array<i32>} : memref<128xi32, #tpu.memory_space<vmem>>, vector<16xi32>,
    %shift_right_logical3A_209 = arith.constant 16 : i32
    %shift_right_logical3A_210 = vector.broadcast %shift_right_logical3A_209 : i32 to vector<16xi32>
    %shift_right_logical3A_211 = arith.shrui %get3A_201, %shift_right_logical3A_210 : vector<16xi32>
    %swap3A_212 = arith.constant 16 : index
    %swap3A_213 = tpu.vector_load %arg14[%swap3A_212] {strides = array<i32>} : memref<128xi32, #tpu.memory_space<vmem>>, vector<16xi32>,
    %swap3A_214 = vector.shape_cast %swap3A_213 : vector<16xi32> to vector<16xi32>
    %swap3A_215 = vector.shape_cast %shift_right_logical3A_211 : vector<16xi32> to vector<16xi32>
    tpu.vector_store %arg14[%swap3A_212], %swap3A_215 {strides = array<i32>} : memref<128xi32, #tpu.memory_space<vmem>>, vector<16xi32>,
    %get3A_216 = arith.constant 1 : i32
    %get3A_217 = arith.index_cast %get3A_216 : i32 to index
    %get3A_218 = arith.constant 32 : index
    %get3A_219 = tpu.vector_load %arg6[%get3A_217, %get3A_218] {strides = array<i32>} : memref<80x128xi32, #tpu.memory_space<vmem>>, vector<1x16xi32>,
    %get3A_220 = vector.shape_cast %get3A_219 : vector<1x16xi32> to vector<16xi32>
    %and3A_221 = arith.constant 65535 : i32
    %and3A_222 = vector.broadcast %and3A_221 : i32 to vector<16xi32>
    %and3A_223 = arith.andi %get3A_220, %and3A_222 : vector<16xi32>
    %swap3A_224 = arith.constant 32 : index
    %swap3A_225 = tpu.vector_load %arg10[%swap3A_224] {strides = array<i32>} : memref<128xi32, #tpu.memory_space<vmem>>, vector<16xi32>,
    %swap3A_226 = vector.shape_cast %swap3A_225 : vector<16xi32> to vector<16xi32>
    %swap3A_227 = vector.shape_cast %and3A_223 : vector<16xi32> to vector<16xi32>
    tpu.vector_store %arg10[%swap3A_224], %swap3A_227 {strides = array<i32>} : memref<128xi32, #tpu.memory_space<vmem>>, vector<16xi32>,
    %shift_right_logical3A_228 = arith.constant 16 : i32
    %shift_right_logical3A_229 = vector.broadcast %shift_right_logical3A_228 : i32 to vector<16xi32>
    %shift_right_logical3A_230 = arith.shrui %get3A_220, %shift_right_logical3A_229 : vector<16xi32>
    %swap3A_231 = arith.constant 32 : index
    %swap3A_232 = tpu.vector_load %arg14[%swap3A_231] {strides = array<i32>} : memref<128xi32, #tpu.memory_space<vmem>>, vector<16xi32>,
    %swap3A_233 = vector.shape_cast %swap3A_232 : vector<16xi32> to vector<16xi32>
    %swap3A_234 = vector.shape_cast %shift_right_logical3A_230 : vector<16xi32> to vector<16xi32>
    tpu.vector_store %arg14[%swap3A_231], %swap3A_234 {strides = array<i32>} : memref<128xi32, #tpu.memory_space<vmem>>, vector<16xi32>,
    %get3A_235 = arith.constant 1 : i32
    %get3A_236 = arith.index_cast %get3A_235 : i32 to index
    %get3A_237 = arith.constant 48 : index
    %get3A_238 = tpu.vector_load %arg6[%get3A_236, %get3A_237] {strides = array<i32>} : memref<80x128xi32, #tpu.memory_space<vmem>>, vector<1x16xi32>,
    %get3A_239 = vector.shape_cast %get3A_238 : vector<1x16xi32> to vector<16xi32>
    %and3A_240 = arith.constant 65535 : i32
    %and3A_241 = vector.broadcast %and3A_240 : i32 to vector<16xi32>
    %and3A_242 = arith.andi %get3A_239, %and3A_241 : vector<16xi32>
    %swap3A_243 = arith.constant 48 : index
    %swap3A_244 = tpu.vector_load %arg10[%swap3A_243] {strides = array<i32>} : memref<128xi32, #tpu.memory_space<vmem>>, vector<16xi32>,
    %swap3A_245 = vector.shape_cast %swap3A_244 : vector<16xi32> to vector<16xi32>
    %swap3A_246 = vector.shape_cast %and3A_242 : vector<16xi32> to vector<16xi32>
    tpu.vector_store %arg10[%swap3A_243], %swap3A_246 {strides = array<i32>} : memref<128xi32, #tpu.memory_space<vmem>>, vector<16xi32>,
    %shift_right_logical3A_247 = arith.constant 16 : i32
    %shift_right_logical3A_248 = vector.broadcast %shift_right_logical3A_247 : i32 to vector<16xi32>
    %shift_right_logical3A_249 = arith.shrui %get3A_239, %shift_right_logical3A_248 : vector<16xi32>
    %swap3A_250 = arith.constant 48 : index
    %swap3A_251 = tpu.vector_load %arg14[%swap3A_250] {strides = array<i32>} : memref<128xi32, #tpu.memory_space<vmem>>, vector<16xi32>,
    %swap3A_252 = vector.shape_cast %swap3A_251 : vector<16xi32> to vector<16xi32>
    %swap3A_253 = vector.shape_cast %shift_right_logical3A_249 : vector<16xi32> to vector<16xi32>
    tpu.vector_store %arg14[%swap3A_250], %swap3A_253 {strides = array<i32>} : memref<128xi32, #tpu.memory_space<vmem>>, vector<16xi32>,
    %get3A_254 = arith.constant 1 : i32
    %get3A_255 = arith.index_cast %get3A_254 : i32 to index
    %get3A_256 = arith.constant 64 : index
    %get3A_257 = tpu.vector_load %arg6[%get3A_255, %get3A_256] {strides = array<i32>} : memref<80x128xi32, #tpu.memory_space<vmem>>, vector<1x16xi32>,
    %get3A_258 = vector.shape_cast %get3A_257 : vector<1x16xi32> to vector<16xi32>
    %and3A_259 = arith.constant 65535 : i32
    %and3A_260 = vector.broadcast %and3A_259 : i32 to vector<16xi32>
    %and3A_261 = arith.andi %get3A_258, %and3A_260 : vector<16xi32>
    %swap3A_262 = arith.constant 64 : index
    %swap3A_263 = tpu.vector_load %arg10[%swap3A_262] {strides = array<i32>} : memref<128xi32, #tpu.memory_space<vmem>>, vector<16xi32>,
    %swap3A_264 = vector.shape_cast %swap3A_263 : vector<16xi32> to vector<16xi32>
    %swap3A_265 = vector.shape_cast %and3A_261 : vector<16xi32> to vector<16xi32>
    tpu.vector_store %arg10[%swap3A_262], %swap3A_265 {strides = array<i32>} : memref<128xi32, #tpu.memory_space<vmem>>, vector<16xi32>,
    %shift_right_logical3A_266 = arith.constant 16 : i32
    %shift_right_logical3A_267 = vector.broadcast %shift_right_logical3A_266 : i32 to vector<16xi32>
    %shift_right_logical3A_268 = arith.shrui %get3A_258, %shift_right_logical3A_267 : vector<16xi32>
    %swap3A_269 = arith.constant 64 : index
    %swap3A_270 = tpu.vector_load %arg14[%swap3A_269] {strides = array<i32>} : memref<128xi32, #tpu.memory_space<vmem>>, vector<16xi32>,
    %swap3A_271 = vector.shape_cast %swap3A_270 : vector<16xi32> to vector<16xi32>
    %swap3A_272 = vector.shape_cast %shift_right_logical3A_268 : vector<16xi32> to vector<16xi32>
    tpu.vector_store %arg14[%swap3A_269], %swap3A_272 {strides = array<i32>} : memref<128xi32, #tpu.memory_space<vmem>>, vector<16xi32>,
    %get3A_273 = arith.constant 1 : i32
    %get3A_274 = arith.index_cast %get3A_273 : i32 to index
    %get3A_275 = arith.constant 80 : index
    %get3A_276 = tpu.vector_load %arg6[%get3A_274, %get3A_275] {strides = array<i32>} : memref<80x128xi32, #tpu.memory_space<vmem>>, vector<1x16xi32>,
    %get3A_277 = vector.shape_cast %get3A_276 : vector<1x16xi32> to vector<16xi32>
    %and3A_278 = arith.constant 65535 : i32
    %and3A_279 = vector.broadcast %and3A_278 : i32 to vector<16xi32>
    %and3A_280 = arith.andi %get3A_277, %and3A_279 : vector<16xi32>
    %swap3A_281 = arith.constant 80 : index
    %swap3A_282 = tpu.vector_load %arg10[%swap3A_281] {strides = array<i32>} : memref<128xi32, #tpu.memory_space<vmem>>, vector<16xi32>,
    %swap3A_283 = vector.shape_cast %swap3A_282 : vector<16xi32> to vector<16xi32>
    %swap3A_284 = vector.shape_cast %and3A_280 : vector<16xi32> to vector<16xi32>
    tpu.vector_store %arg10[%swap3A_281], %swap3A_284 {strides = array<i32>} : memref<128xi32, #tpu.memory_space<vmem>>, vector<16xi32>,
    %shift_right_logical3A_285 = arith.constant 16 : i32
    %shift_right_logical3A_286 = vector.broadcast %shift_right_logical3A_285 : i32 to vector<16xi32>
    %shift_right_logical3A_287 = arith.shrui %get3A_277, %shift_right_logical3A_286 : vector<16xi32>
    %swap3A_288 = arith.constant 80 : index
    %swap3A_289 = tpu.vector_load %arg14[%swap3A_288] {strides = array<i32>} : memref<128xi32, #tpu.memory_space<vmem>>, vector<16xi32>,
    %swap3A_290 = vector.shape_cast %swap3A_289 : vector<16xi32> to vector<16xi32>
    %swap3A_291 = vector.shape_cast %shift_right_logical3A_287 : vector<16xi32> to vector<16xi32>
    tpu.vector_store %arg14[%swap3A_288], %swap3A_291 {strides = array<i32>} : memref<128xi32, #tpu.memory_space<vmem>>, vector<16xi32>,
    %get3A_292 = arith.constant 1 : i32
    %get3A_293 = arith.index_cast %get3A_292 : i32 to index
    %get3A_294 = arith.constant 96 : index
    %get3A_295 = tpu.vector_load %arg6[%get3A_293, %get3A_294] {strides = array<i32>} : memref<80x128xi32, #tpu.memory_space<vmem>>, vector<1x16xi32>,
    %get3A_296 = vector.shape_cast %get3A_295 : vector<1x16xi32> to vector<16xi32>
    %and3A_297 = arith.constant 65535 : i32
    %and3A_298 = vector.broadcast %and3A_297 : i32 to vector<16xi32>
    %and3A_299 = arith.andi %get3A_296, %and3A_298 : vector<16xi32>
    %swap3A_300 = arith.constant 96 : index
    %swap3A_301 = tpu.vector_load %arg10[%swap3A_300] {strides = array<i32>} : memref<128xi32, #tpu.memory_space<vmem>>, vector<16xi32>,
    %swap3A_302 = vector.shape_cast %swap3A_301 : vector<16xi32> to vector<16xi32>
    %swap3A_303 = vector.shape_cast %and3A_299 : vector<16xi32> to vector<16xi32>
    tpu.vector_store %arg10[%swap3A_300], %swap3A_303 {strides = array<i32>} : memref<128xi32, #tpu.memory_space<vmem>>, vector<16xi32>,
    %shift_right_logical3A_304 = arith.constant 16 : i32
    %shift_right_logical3A_305 = vector.broadcast %shift_right_logical3A_304 : i32 to vector<16xi32>
    %shift_right_logical3A_306 = arith.shrui %get3A_296, %shift_right_logical3A_305 : vector<16xi32>
    %swap3A_307 = arith.constant 96 : index
    %swap3A_308 = tpu.vector_load %arg14[%swap3A_307] {strides = array<i32>} : memref<128xi32, #tpu.memory_space<vmem>>, vector<16xi32>,
    %swap3A_309 = vector.shape_cast %swap3A_308 : vector<16xi32> to vector<16xi32>
    %swap3A_310 = vector.shape_cast %shift_right_logical3A_306 : vector<16xi32> to vector<16xi32>
    tpu.vector_store %arg14[%swap3A_307], %swap3A_310 {strides = array<i32>} : memref<128xi32, #tpu.memory_space<vmem>>, vector<16xi32>,
    %get3A_311 = arith.constant 1 : i32
    %get3A_312 = arith.index_cast %get3A_311 : i32 to index
    %get3A_313 = arith.constant 112 : index
    %get3A_314 = tpu.vector_load %arg6[%get3A_312, %get3A_313] {strides = array<i32>} : memref<80x128xi32, #tpu.memory_space<vmem>>, vector<1x16xi32>,
    %get3A_315 = vector.shape_cast %get3A_314 : vector<1x16xi32> to vector<16xi32>
    %and3A_316 = arith.constant 65535 : i32
    %and3A_317 = vector.broadcast %and3A_316 : i32 to vector<16xi32>
    %and3A_318 = arith.andi %get3A_315, %and3A_317 : vector<16xi32>
    %swap3A_319 = arith.constant 112 : index
    %swap3A_320 = tpu.vector_load %arg10[%swap3A_319] {strides = array<i32>} : memref<128xi32, #tpu.memory_space<vmem>>, vector<16xi32>,
    %swap3A_321 = vector.shape_cast %swap3A_320 : vector<16xi32> to vector<16xi32>
    %swap3A_322 = vector.shape_cast %and3A_318 : vector<16xi32> to vector<16xi32>
    tpu.vector_store %arg10[%swap3A_319], %swap3A_322 {strides = array<i32>} : memref<128xi32, #tpu.memory_space<vmem>>, vector<16xi32>,
    %shift_right_logical3A_323 = arith.constant 16 : i32
    %shift_right_logical3A_324 = vector.broadcast %shift_right_logical3A_323 : i32 to vector<16xi32>
    %shift_right_logical3A_325 = arith.shrui %get3A_315, %shift_right_logical3A_324 : vector<16xi32>
    %swap3A_326 = arith.constant 112 : index
    %swap3A_327 = tpu.vector_load %arg14[%swap3A_326] {strides = array<i32>} : memref<128xi32, #tpu.memory_space<vmem>>, vector<16xi32>,
    %swap3A_328 = vector.shape_cast %swap3A_327 : vector<16xi32> to vector<16xi32>
    %swap3A_329 = vector.shape_cast %shift_right_logical3A_325 : vector<16xi32> to vector<16xi32>
    tpu.vector_store %arg14[%swap3A_326], %swap3A_329 {strides = array<i32>} : memref<128xi32, #tpu.memory_space<vmem>>, vector<16xi32>,
    %dma_start3A_330 = arith.constant 0 : i32
    %dma_start3A_331 = arith.constant 0 : i32
    %dma_start3A_332 = tpu.memref_slice %arg2[%dma_start3A_330, %dma_start3A_331] : memref<10240x128xf32, #tpu.memory_space<hbm>> -> memref<10240x128xf32, #tpu.memory_space<hbm>>
    tpu.enqueue_indirect_dma source(%dma_start3A_332 : memref<10240x128xf32, #tpu.memory_space<hbm>>) target(%arg7 : memref<128x128xf32, #tpu.memory_space<vmem>>) offsets(%arg9 : memref<128xi32, #tpu.memory_space<vmem>>) semaphore(%arg18 : memref<!tpu.dma_semaphore, #tpu.memory_space<semaphore_mem>>)
    %dma_start3A_333 = arith.constant 0 : i32
    %dma_start3A_334 = arith.constant 0 : i32
    %dma_start3A_335 = tpu.memref_slice %arg2[%dma_start3A_333, %dma_start3A_334] : memref<10240x128xf32, #tpu.memory_space<hbm>> -> memref<10240x128xf32, #tpu.memory_space<hbm>>
    tpu.enqueue_indirect_dma source(%dma_start3A_335 : memref<10240x128xf32, #tpu.memory_space<hbm>>) target(%arg8 : memref<128x128xf32, #tpu.memory_space<vmem>>) offsets(%arg10 : memref<128xi32, #tpu.memory_space<vmem>>) semaphore(%arg19 : memref<!tpu.dma_semaphore, #tpu.memory_space<semaphore_mem>>)
    %mul3A_336 = arith.constant 640 : i32
    %mul3A_337 = arith.muli %arg1, %mul3A_336 : i32
    %add3A_338 = arith.constant 0 : i32
    %add3A_339 = arith.addi %mul3A_337, %add3A_338 : i32
    %dma_wait3A = arith.constant 0 : i32
    %dma_wait3A_340 = tpu.memref_slice %arg17[%add3A_339, %dma_wait3A] : memref<10240x128xf32, #tpu.memory_space<vmem_shared>> -> memref<128x128xf32, #tpu.memory_space<vmem_shared>>
    tpu.wait_dma2 semaphore(%arg20 : memref<!tpu.dma_semaphore, #tpu.memory_space<semaphore_mem>>) src(%arg4 : memref<128x128xf32, #tpu.memory_space<hbm>>) dst(%dma_wait3A_340 : memref<128x128xf32, #tpu.memory_space<vmem_shared>>)
    %mul3A_341 = arith.constant 640 : i32
    %mul3A_342 = arith.muli %arg1, %mul3A_341 : i32
    %add3A_343 = arith.constant 128 : i32
    %add3A_344 = arith.addi %mul3A_342, %add3A_343 : i32
    %dma_wait3A_345 = arith.constant 0 : i32
    %dma_wait3A_346 = tpu.memref_slice %arg17[%add3A_344, %dma_wait3A_345] : memref<10240x128xf32, #tpu.memory_space<vmem_shared>> -> memref<128x128xf32, #tpu.memory_space<vmem_shared>>
    tpu.wait_dma2 semaphore(%arg20 : memref<!tpu.dma_semaphore, #tpu.memory_space<semaphore_mem>>) src(%arg4 : memref<128x128xf32, #tpu.memory_space<hbm>>) dst(%dma_wait3A_346 : memref<128x128xf32, #tpu.memory_space<vmem_shared>>)
    %mul3A_347 = arith.constant 640 : i32
    %mul3A_348 = arith.muli %arg1, %mul3A_347 : i32
    %add3A_349 = arith.constant 256 : i32
    %add3A_350 = arith.addi %mul3A_348, %add3A_349 : i32
    %dma_wait3A_351 = arith.constant 0 : i32
    %dma_wait3A_352 = tpu.memref_slice %arg17[%add3A_350, %dma_wait3A_351] : memref<10240x128xf32, #tpu.memory_space<vmem_shared>> -> memref<128x128xf32, #tpu.memory_space<vmem_shared>>
    tpu.wait_dma2 semaphore(%arg20 : memref<!tpu.dma_semaphore, #tpu.memory_space<semaphore_mem>>) src(%arg4 : memref<128x128xf32, #tpu.memory_space<hbm>>) dst(%dma_wait3A_352 : memref<128x128xf32, #tpu.memory_space<vmem_shared>>)
    %mul3A_353 = arith.constant 640 : i32
    %mul3A_354 = arith.muli %arg1, %mul3A_353 : i32
    %add3A_355 = arith.constant 384 : i32
    %add3A_356 = arith.addi %mul3A_354, %add3A_355 : i32
    %dma_wait3A_357 = arith.constant 0 : i32
    %dma_wait3A_358 = tpu.memref_slice %arg17[%add3A_356, %dma_wait3A_357] : memref<10240x128xf32, #tpu.memory_space<vmem_shared>> -> memref<128x128xf32, #tpu.memory_space<vmem_shared>>
    tpu.wait_dma2 semaphore(%arg20 : memref<!tpu.dma_semaphore, #tpu.memory_space<semaphore_mem>>) src(%arg4 : memref<128x128xf32, #tpu.memory_space<hbm>>) dst(%dma_wait3A_358 : memref<128x128xf32, #tpu.memory_space<vmem_shared>>)
    %mul3A_359 = arith.constant 640 : i32
    %mul3A_360 = arith.muli %arg1, %mul3A_359 : i32
    %add3A_361 = arith.constant 512 : i32
    %add3A_362 = arith.addi %mul3A_360, %add3A_361 : i32
    %dma_wait3A_363 = arith.constant 0 : i32
    %dma_wait3A_364 = tpu.memref_slice %arg17[%add3A_362, %dma_wait3A_363] : memref<10240x128xf32, #tpu.memory_space<vmem_shared>> -> memref<128x128xf32, #tpu.memory_space<vmem_shared>>
    tpu.wait_dma2 semaphore(%arg20 : memref<!tpu.dma_semaphore, #tpu.memory_space<semaphore_mem>>) src(%arg4 : memref<128x128xf32, #tpu.memory_space<hbm>>) dst(%dma_wait3A_364 : memref<128x128xf32, #tpu.memory_space<vmem_shared>>)
    %barrier3A = arith.constant 0 : index
    tpu.barrier barrier_id(%barrier3A)
    %scan3A = arith.constant 0 : i32
    %scan3A_365 = arith.constant 0 : i32
    %scan3A_366 = arith.constant 20 : i32
    %scan3A_367 = arith.addi %scan3A_365, %scan3A_366 : i32
    %scan3A_368 = arith.constant 1 : i32
    scf.for %scan3A_373 = %scan3A_365 to %scan3A_367 step %scan3A_368  : i32 {
      %mul3A_374 = arith.constant 4 : i32
      %mul3A_375 = arith.muli %scan3A_373, %mul3A_374 : i32
      %add3A_376 = arith.constant 0 : i32
      %add3A_377 = arith.addi %mul3A_375, %add3A_376 : i32
      %add3A_378 = arith.constant 2 : i32
      %add3A_379 = arith.addi %add3A_377, %add3A_378 : i32
      %lt3A = arith.constant 80 : i32
      %lt3A_380 = arith.cmpi slt, %add3A_379, %lt3A : i32
      %convert_element_type3A = arith.extui %lt3A_380 : i1 to i32
      %cond3A = arith.constant 0 : i32
      %cond3A_381 = arith.cmpi ne, %convert_element_type3A, %cond3A : i32
      scf.if %cond3A_381 {
        %add3A_449 = arith.constant 2 : i32
        %add3A_450 = arith.addi %add3A_377, %add3A_449 : i32
        %get3A_451 = arith.index_cast %add3A_450 : i32 to index
        %get3A_452 = arith.constant 0 : index
        %get3A_453 = tpu.vector_load %arg6[%get3A_451, %get3A_452] {strides = array<i32>} : memref<80x128xi32, #tpu.memory_space<vmem>>, vector<1x16xi32>,
        %get3A_454 = vector.shape_cast %get3A_453 : vector<1x16xi32> to vector<16xi32>
        %and3A_455 = arith.constant 65535 : i32
        %and3A_456 = vector.broadcast %and3A_455 : i32 to vector<16xi32>
        %and3A_457 = arith.andi %get3A_454, %and3A_456 : vector<16xi32>
        %swap3A_458 = arith.constant 0 : index
        %swap3A_459 = tpu.vector_load %arg11[%swap3A_458] {strides = array<i32>} : memref<128xi32, #tpu.memory_space<vmem>>, vector<16xi32>,
        %swap3A_460 = vector.shape_cast %swap3A_459 : vector<16xi32> to vector<16xi32>
        %swap3A_461 = vector.shape_cast %and3A_457 : vector<16xi32> to vector<16xi32>
        tpu.vector_store %arg11[%swap3A_458], %swap3A_461 {strides = array<i32>} : memref<128xi32, #tpu.memory_space<vmem>>, vector<16xi32>,
        %shift_right_logical3A_462 = arith.constant 16 : i32
        %shift_right_logical3A_463 = vector.broadcast %shift_right_logical3A_462 : i32 to vector<16xi32>
        %shift_right_logical3A_464 = arith.shrui %get3A_454, %shift_right_logical3A_463 : vector<16xi32>
        %swap3A_465 = arith.constant 0 : index
        %swap3A_466 = tpu.vector_load %arg15[%swap3A_465] {strides = array<i32>} : memref<128xi32, #tpu.memory_space<vmem>>, vector<16xi32>,
        %swap3A_467 = vector.shape_cast %swap3A_466 : vector<16xi32> to vector<16xi32>
        %swap3A_468 = vector.shape_cast %shift_right_logical3A_464 : vector<16xi32> to vector<16xi32>
        tpu.vector_store %arg15[%swap3A_465], %swap3A_468 {strides = array<i32>} : memref<128xi32, #tpu.memory_space<vmem>>, vector<16xi32>,
        %get3A_469 = arith.index_cast %add3A_450 : i32 to index
        %get3A_470 = arith.constant 16 : index
        %get3A_471 = tpu.vector_load %arg6[%get3A_469, %get3A_470] {strides = array<i32>} : memref<80x128xi32, #tpu.memory_space<vmem>>, vector<1x16xi32>,
        %get3A_472 = vector.shape_cast %get3A_471 : vector<1x16xi32> to vector<16xi32>
        %and3A_473 = arith.constant 65535 : i32
        %and3A_474 = vector.broadcast %and3A_473 : i32 to vector<16xi32>
        %and3A_475 = arith.andi %get3A_472, %and3A_474 : vector<16xi32>
        %swap3A_476 = arith.constant 16 : index
        %swap3A_477 = tpu.vector_load %arg11[%swap3A_476] {strides = array<i32>} : memref<128xi32, #tpu.memory_space<vmem>>, vector<16xi32>,
        %swap3A_478 = vector.shape_cast %swap3A_477 : vector<16xi32> to vector<16xi32>
        %swap3A_479 = vector.shape_cast %and3A_475 : vector<16xi32> to vector<16xi32>
        tpu.vector_store %arg11[%swap3A_476], %swap3A_479 {strides = array<i32>} : memref<128xi32, #tpu.memory_space<vmem>>, vector<16xi32>,
        %shift_right_logical3A_480 = arith.constant 16 : i32
        %shift_right_logical3A_481 = vector.broadcast %shift_right_logical3A_480 : i32 to vector<16xi32>
        %shift_right_logical3A_482 = arith.shrui %get3A_472, %shift_right_logical3A_481 : vector<16xi32>
        %swap3A_483 = arith.constant 16 : index
        %swap3A_484 = tpu.vector_load %arg15[%swap3A_483] {strides = array<i32>} : memref<128xi32, #tpu.memory_space<vmem>>, vector<16xi32>,
        %swap3A_485 = vector.shape_cast %swap3A_484 : vector<16xi32> to vector<16xi32>
        %swap3A_486 = vector.shape_cast %shift_right_logical3A_482 : vector<16xi32> to vector<16xi32>
        tpu.vector_store %arg15[%swap3A_483], %swap3A_486 {strides = array<i32>} : memref<128xi32, #tpu.memory_space<vmem>>, vector<16xi32>,
        %get3A_487 = arith.index_cast %add3A_450 : i32 to index
        %get3A_488 = arith.constant 32 : index
        %get3A_489 = tpu.vector_load %arg6[%get3A_487, %get3A_488] {strides = array<i32>} : memref<80x128xi32, #tpu.memory_space<vmem>>, vector<1x16xi32>,
        %get3A_490 = vector.shape_cast %get3A_489 : vector<1x16xi32> to vector<16xi32>
        %and3A_491 = arith.constant 65535 : i32
        %and3A_492 = vector.broadcast %and3A_491 : i32 to vector<16xi32>
        %and3A_493 = arith.andi %get3A_490, %and3A_492 : vector<16xi32>
        %swap3A_494 = arith.constant 32 : index
        %swap3A_495 = tpu.vector_load %arg11[%swap3A_494] {strides = array<i32>} : memref<128xi32, #tpu.memory_space<vmem>>, vector<16xi32>,
        %swap3A_496 = vector.shape_cast %swap3A_495 : vector<16xi32> to vector<16xi32>
        %swap3A_497 = vector.shape_cast %and3A_493 : vector<16xi32> to vector<16xi32>
        tpu.vector_store %arg11[%swap3A_494], %swap3A_497 {strides = array<i32>} : memref<128xi32, #tpu.memory_space<vmem>>, vector<16xi32>,
        %shift_right_logical3A_498 = arith.constant 16 : i32
        %shift_right_logical3A_499 = vector.broadcast %shift_right_logical3A_498 : i32 to vector<16xi32>
        %shift_right_logical3A_500 = arith.shrui %get3A_490, %shift_right_logical3A_499 : vector<16xi32>
        %swap3A_501 = arith.constant 32 : index
        %swap3A_502 = tpu.vector_load %arg15[%swap3A_501] {strides = array<i32>} : memref<128xi32, #tpu.memory_space<vmem>>, vector<16xi32>,
        %swap3A_503 = vector.shape_cast %swap3A_502 : vector<16xi32> to vector<16xi32>
        %swap3A_504 = vector.shape_cast %shift_right_logical3A_500 : vector<16xi32> to vector<16xi32>
        tpu.vector_store %arg15[%swap3A_501], %swap3A_504 {strides = array<i32>} : memref<128xi32, #tpu.memory_space<vmem>>, vector<16xi32>,
        %get3A_505 = arith.index_cast %add3A_450 : i32 to index
        %get3A_506 = arith.constant 48 : index
        %get3A_507 = tpu.vector_load %arg6[%get3A_505, %get3A_506] {strides = array<i32>} : memref<80x128xi32, #tpu.memory_space<vmem>>, vector<1x16xi32>,
        %get3A_508 = vector.shape_cast %get3A_507 : vector<1x16xi32> to vector<16xi32>
        %and3A_509 = arith.constant 65535 : i32
        %and3A_510 = vector.broadcast %and3A_509 : i32 to vector<16xi32>
        %and3A_511 = arith.andi %get3A_508, %and3A_510 : vector<16xi32>
        %swap3A_512 = arith.constant 48 : index
        %swap3A_513 = tpu.vector_load %arg11[%swap3A_512] {strides = array<i32>} : memref<128xi32, #tpu.memory_space<vmem>>, vector<16xi32>,
        %swap3A_514 = vector.shape_cast %swap3A_513 : vector<16xi32> to vector<16xi32>
        %swap3A_515 = vector.shape_cast %and3A_511 : vector<16xi32> to vector<16xi32>
        tpu.vector_store %arg11[%swap3A_512], %swap3A_515 {strides = array<i32>} : memref<128xi32, #tpu.memory_space<vmem>>, vector<16xi32>,
        %shift_right_logical3A_516 = arith.constant 16 : i32
        %shift_right_logical3A_517 = vector.broadcast %shift_right_logical3A_516 : i32 to vector<16xi32>
        %shift_right_logical3A_518 = arith.shrui %get3A_508, %shift_right_logical3A_517 : vector<16xi32>
        %swap3A_519 = arith.constant 48 : index
        %swap3A_520 = tpu.vector_load %arg15[%swap3A_519] {strides = array<i32>} : memref<128xi32, #tpu.memory_space<vmem>>, vector<16xi32>,
        %swap3A_521 = vector.shape_cast %swap3A_520 : vector<16xi32> to vector<16xi32>
        %swap3A_522 = vector.shape_cast %shift_right_logical3A_518 : vector<16xi32> to vector<16xi32>
        tpu.vector_store %arg15[%swap3A_519], %swap3A_522 {strides = array<i32>} : memref<128xi32, #tpu.memory_space<vmem>>, vector<16xi32>,
        %get3A_523 = arith.index_cast %add3A_450 : i32 to index
        %get3A_524 = arith.constant 64 : index
        %get3A_525 = tpu.vector_load %arg6[%get3A_523, %get3A_524] {strides = array<i32>} : memref<80x128xi32, #tpu.memory_space<vmem>>, vector<1x16xi32>,
        %get3A_526 = vector.shape_cast %get3A_525 : vector<1x16xi32> to vector<16xi32>
        %and3A_527 = arith.constant 65535 : i32
        %and3A_528 = vector.broadcast %and3A_527 : i32 to vector<16xi32>
        %and3A_529 = arith.andi %get3A_526, %and3A_528 : vector<16xi32>
        %swap3A_530 = arith.constant 64 : index
        %swap3A_531 = tpu.vector_load %arg11[%swap3A_530] {strides = array<i32>} : memref<128xi32, #tpu.memory_space<vmem>>, vector<16xi32>,
        %swap3A_532 = vector.shape_cast %swap3A_531 : vector<16xi32> to vector<16xi32>
        %swap3A_533 = vector.shape_cast %and3A_529 : vector<16xi32> to vector<16xi32>
        tpu.vector_store %arg11[%swap3A_530], %swap3A_533 {strides = array<i32>} : memref<128xi32, #tpu.memory_space<vmem>>, vector<16xi32>,
        %shift_right_logical3A_534 = arith.constant 16 : i32
        %shift_right_logical3A_535 = vector.broadcast %shift_right_logical3A_534 : i32 to vector<16xi32>
        %shift_right_logical3A_536 = arith.shrui %get3A_526, %shift_right_logical3A_535 : vector<16xi32>
        %swap3A_537 = arith.constant 64 : index
        %swap3A_538 = tpu.vector_load %arg15[%swap3A_537] {strides = array<i32>} : memref<128xi32, #tpu.memory_space<vmem>>, vector<16xi32>,
        %swap3A_539 = vector.shape_cast %swap3A_538 : vector<16xi32> to vector<16xi32>
        %swap3A_540 = vector.shape_cast %shift_right_logical3A_536 : vector<16xi32> to vector<16xi32>
        tpu.vector_store %arg15[%swap3A_537], %swap3A_540 {strides = array<i32>} : memref<128xi32, #tpu.memory_space<vmem>>, vector<16xi32>,
        %get3A_541 = arith.index_cast %add3A_450 : i32 to index
        %get3A_542 = arith.constant 80 : index
        %get3A_543 = tpu.vector_load %arg6[%get3A_541, %get3A_542] {strides = array<i32>} : memref<80x128xi32, #tpu.memory_space<vmem>>, vector<1x16xi32>,
        %get3A_544 = vector.shape_cast %get3A_543 : vector<1x16xi32> to vector<16xi32>
        %and3A_545 = arith.constant 65535 : i32
        %and3A_546 = vector.broadcast %and3A_545 : i32 to vector<16xi32>
        %and3A_547 = arith.andi %get3A_544, %and3A_546 : vector<16xi32>
        %swap3A_548 = arith.constant 80 : index
        %swap3A_549 = tpu.vector_load %arg11[%swap3A_548] {strides = array<i32>} : memref<128xi32, #tpu.memory_space<vmem>>, vector<16xi32>,
        %swap3A_550 = vector.shape_cast %swap3A_549 : vector<16xi32> to vector<16xi32>
        %swap3A_551 = vector.shape_cast %and3A_547 : vector<16xi32> to vector<16xi32>
        tpu.vector_store %arg11[%swap3A_548], %swap3A_551 {strides = array<i32>} : memref<128xi32, #tpu.memory_space<vmem>>, vector<16xi32>,
        %shift_right_logical3A_552 = arith.constant 16 : i32
        %shift_right_logical3A_553 = vector.broadcast %shift_right_logical3A_552 : i32 to vector<16xi32>
        %shift_right_logical3A_554 = arith.shrui %get3A_544, %shift_right_logical3A_553 : vector<16xi32>
        %swap3A_555 = arith.constant 80 : index
        %swap3A_556 = tpu.vector_load %arg15[%swap3A_555] {strides = array<i32>} : memref<128xi32, #tpu.memory_space<vmem>>, vector<16xi32>,
        %swap3A_557 = vector.shape_cast %swap3A_556 : vector<16xi32> to vector<16xi32>
        %swap3A_558 = vector.shape_cast %shift_right_logical3A_554 : vector<16xi32> to vector<16xi32>
        tpu.vector_store %arg15[%swap3A_555], %swap3A_558 {strides = array<i32>} : memref<128xi32, #tpu.memory_space<vmem>>, vector<16xi32>,
        %get3A_559 = arith.index_cast %add3A_450 : i32 to index
        %get3A_560 = arith.constant 96 : index
        %get3A_561 = tpu.vector_load %arg6[%get3A_559, %get3A_560] {strides = array<i32>} : memref<80x128xi32, #tpu.memory_space<vmem>>, vector<1x16xi32>,
        %get3A_562 = vector.shape_cast %get3A_561 : vector<1x16xi32> to vector<16xi32>
        %and3A_563 = arith.constant 65535 : i32
        %and3A_564 = vector.broadcast %and3A_563 : i32 to vector<16xi32>
        %and3A_565 = arith.andi %get3A_562, %and3A_564 : vector<16xi32>
        %swap3A_566 = arith.constant 96 : index
        %swap3A_567 = tpu.vector_load %arg11[%swap3A_566] {strides = array<i32>} : memref<128xi32, #tpu.memory_space<vmem>>, vector<16xi32>,
        %swap3A_568 = vector.shape_cast %swap3A_567 : vector<16xi32> to vector<16xi32>
        %swap3A_569 = vector.shape_cast %and3A_565 : vector<16xi32> to vector<16xi32>
        tpu.vector_store %arg11[%swap3A_566], %swap3A_569 {strides = array<i32>} : memref<128xi32, #tpu.memory_space<vmem>>, vector<16xi32>,
        %shift_right_logical3A_570 = arith.constant 16 : i32
        %shift_right_logical3A_571 = vector.broadcast %shift_right_logical3A_570 : i32 to vector<16xi32>
        %shift_right_logical3A_572 = arith.shrui %get3A_562, %shift_right_logical3A_571 : vector<16xi32>
        %swap3A_573 = arith.constant 96 : index
        %swap3A_574 = tpu.vector_load %arg15[%swap3A_573] {strides = array<i32>} : memref<128xi32, #tpu.memory_space<vmem>>, vector<16xi32>,
        %swap3A_575 = vector.shape_cast %swap3A_574 : vector<16xi32> to vector<16xi32>
        %swap3A_576 = vector.shape_cast %shift_right_logical3A_572 : vector<16xi32> to vector<16xi32>
        tpu.vector_store %arg15[%swap3A_573], %swap3A_576 {strides = array<i32>} : memref<128xi32, #tpu.memory_space<vmem>>, vector<16xi32>,
        %get3A_577 = arith.index_cast %add3A_450 : i32 to index
        %get3A_578 = arith.constant 112 : index
        %get3A_579 = tpu.vector_load %arg6[%get3A_577, %get3A_578] {strides = array<i32>} : memref<80x128xi32, #tpu.memory_space<vmem>>, vector<1x16xi32>,
        %get3A_580 = vector.shape_cast %get3A_579 : vector<1x16xi32> to vector<16xi32>
        %and3A_581 = arith.constant 65535 : i32
        %and3A_582 = vector.broadcast %and3A_581 : i32 to vector<16xi32>
        %and3A_583 = arith.andi %get3A_580, %and3A_582 : vector<16xi32>
        %swap3A_584 = arith.constant 112 : index
        %swap3A_585 = tpu.vector_load %arg11[%swap3A_584] {strides = array<i32>} : memref<128xi32, #tpu.memory_space<vmem>>, vector<16xi32>,
        %swap3A_586 = vector.shape_cast %swap3A_585 : vector<16xi32> to vector<16xi32>
        %swap3A_587 = vector.shape_cast %and3A_583 : vector<16xi32> to vector<16xi32>
        tpu.vector_store %arg11[%swap3A_584], %swap3A_587 {strides = array<i32>} : memref<128xi32, #tpu.memory_space<vmem>>, vector<16xi32>,
        %shift_right_logical3A_588 = arith.constant 16 : i32
        %shift_right_logical3A_589 = vector.broadcast %shift_right_logical3A_588 : i32 to vector<16xi32>
        %shift_right_logical3A_590 = arith.shrui %get3A_580, %shift_right_logical3A_589 : vector<16xi32>
        %swap3A_591 = arith.constant 112 : index
        %swap3A_592 = tpu.vector_load %arg15[%swap3A_591] {strides = array<i32>} : memref<128xi32, #tpu.memory_space<vmem>>, vector<16xi32>,
        %swap3A_593 = vector.shape_cast %swap3A_592 : vector<16xi32> to vector<16xi32>
        %swap3A_594 = vector.shape_cast %shift_right_logical3A_590 : vector<16xi32> to vector<16xi32>
        tpu.vector_store %arg15[%swap3A_591], %swap3A_594 {strides = array<i32>} : memref<128xi32, #tpu.memory_space<vmem>>, vector<16xi32>,
      } else {
      }
      %dma_wait3A_382 = arith.constant 0 : i32
      %dma_wait3A_383 = arith.constant 0 : i32
      %dma_wait3A_384 = tpu.memref_slice %arg2[%dma_wait3A_382, %dma_wait3A_383] : memref<10240x128xf32, #tpu.memory_space<hbm>> -> memref<10240x128xf32, #tpu.memory_space<hbm>>
      tpu.wait_indirect_dma semaphore(%arg18 : memref<!tpu.dma_semaphore, #tpu.memory_space<semaphore_mem>>) src(%dma_wait3A_384 : memref<10240x128xf32, #tpu.memory_space<hbm>>) dst(%arg7 : memref<128x128xf32, #tpu.memory_space<vmem>>)
      "tpu.region"() ({
        %run_scoped3A = tpu.sem_alloc : memref<!tpu.dma_semaphore, #tpu.memory_space<semaphore_mem>>
        %dma_start3A_449 = arith.constant 0 : i32
        %dma_start3A_450 = arith.constant 0 : i32
        %dma_start3A_451 = tpu.memref_slice %arg17[%dma_start3A_449, %dma_start3A_450] : memref<10240x128xf32, #tpu.memory_space<vmem_shared>> -> memref<10240x128xf32, #tpu.memory_space<vmem_shared>>
        tpu.enqueue_indirect_dma source(%arg7 : memref<128x128xf32, #tpu.memory_space<vmem>>) target(%dma_start3A_451 : memref<10240x128xf32, #tpu.memory_space<vmem_shared>>) offsets(%arg13 : memref<128xi32, #tpu.memory_space<vmem>>) semaphore(%run_scoped3A : memref<!tpu.dma_semaphore, #tpu.memory_space<semaphore_mem>>) {add = true}
        %dma_wait3A_452 = arith.constant 0 : i32
        %dma_wait3A_453 = arith.constant 0 : i32
        %dma_wait3A_454 = tpu.memref_slice %arg17[%dma_wait3A_452, %dma_wait3A_453] : memref<10240x128xf32, #tpu.memory_space<vmem_shared>> -> memref<10240x128xf32, #tpu.memory_space<vmem_shared>>
        tpu.wait_indirect_dma semaphore(%run_scoped3A : memref<!tpu.dma_semaphore, #tpu.memory_space<semaphore_mem>>) src(%arg7 : memref<128x128xf32, #tpu.memory_space<vmem>>) dst(%dma_wait3A_454 : memref<10240x128xf32, #tpu.memory_space<vmem_shared>>)
        tpu.yield
      }) : () -> ()
      %add3A_385 = arith.constant 2 : i32
      %add3A_386 = arith.addi %add3A_377, %add3A_385 : i32
      %lt3A_387 = arith.constant 80 : i32
      %lt3A_388 = arith.cmpi slt, %add3A_386, %lt3A_387 : i32
      %convert_element_type3A_389 = arith.extui %lt3A_388 : i1 to i32
      %cond3A_390 = arith.constant 0 : i32
      %cond3A_391 = arith.cmpi ne, %convert_element_type3A_389, %cond3A_390 : i32
      scf.if %cond3A_391 {
        %dma_start3A_449 = arith.constant 0 : i32
        %dma_start3A_450 = arith.constant 0 : i32
        %dma_start3A_451 = tpu.memref_slice %arg2[%dma_start3A_449, %dma_start3A_450] : memref<10240x128xf32, #tpu.memory_space<hbm>> -> memref<10240x128xf32, #tpu.memory_space<hbm>>
        tpu.enqueue_indirect_dma source(%dma_start3A_451 : memref<10240x128xf32, #tpu.memory_space<hbm>>) target(%arg7 : memref<128x128xf32, #tpu.memory_space<vmem>>) offsets(%arg11 : memref<128xi32, #tpu.memory_space<vmem>>) semaphore(%arg18 : memref<!tpu.dma_semaphore, #tpu.memory_space<semaphore_mem>>)
      } else {
      }
      %add3A_392 = arith.constant 1 : i32
      %add3A_393 = arith.addi %mul3A_375, %add3A_392 : i32
      %add3A_394 = arith.constant 2 : i32
      %add3A_395 = arith.addi %add3A_393, %add3A_394 : i32
      %lt3A_396 = arith.constant 80 : i32
      %lt3A_397 = arith.cmpi slt, %add3A_395, %lt3A_396 : i32
      %convert_element_type3A_398 = arith.extui %lt3A_397 : i1 to i32
      %cond3A_399 = arith.constant 0 : i32
      %cond3A_400 = arith.cmpi ne, %convert_element_type3A_398, %cond3A_399 : i32
      scf.if %cond3A_400 {
        %add3A_449 = arith.constant 2 : i32
        %add3A_450 = arith.addi %add3A_393, %add3A_449 : i32
        %get3A_451 = arith.index_cast %add3A_450 : i32 to index
        %get3A_452 = arith.constant 0 : index
        %get3A_453 = tpu.vector_load %arg6[%get3A_451, %get3A_452] {strides = array<i32>} : memref<80x128xi32, #tpu.memory_space<vmem>>, vector<1x16xi32>,
        %get3A_454 = vector.shape_cast %get3A_453 : vector<1x16xi32> to vector<16xi32>
        %and3A_455 = arith.constant 65535 : i32
        %and3A_456 = vector.broadcast %and3A_455 : i32 to vector<16xi32>
        %and3A_457 = arith.andi %get3A_454, %and3A_456 : vector<16xi32>
        %swap3A_458 = arith.constant 0 : index
        %swap3A_459 = tpu.vector_load %arg12[%swap3A_458] {strides = array<i32>} : memref<128xi32, #tpu.memory_space<vmem>>, vector<16xi32>,
        %swap3A_460 = vector.shape_cast %swap3A_459 : vector<16xi32> to vector<16xi32>
        %swap3A_461 = vector.shape_cast %and3A_457 : vector<16xi32> to vector<16xi32>
        tpu.vector_store %arg12[%swap3A_458], %swap3A_461 {strides = array<i32>} : memref<128xi32, #tpu.memory_space<vmem>>, vector<16xi32>,
        %shift_right_logical3A_462 = arith.constant 16 : i32
        %shift_right_logical3A_463 = vector.broadcast %shift_right_logical3A_462 : i32 to vector<16xi32>
        %shift_right_logical3A_464 = arith.shrui %get3A_454, %shift_right_logical3A_463 : vector<16xi32>
        %swap3A_465 = arith.constant 0 : index
        %swap3A_466 = tpu.vector_load %arg16[%swap3A_465] {strides = array<i32>} : memref<128xi32, #tpu.memory_space<vmem>>, vector<16xi32>,
        %swap3A_467 = vector.shape_cast %swap3A_466 : vector<16xi32> to vector<16xi32>
        %swap3A_468 = vector.shape_cast %shift_right_logical3A_464 : vector<16xi32> to vector<16xi32>
        tpu.vector_store %arg16[%swap3A_465], %swap3A_468 {strides = array<i32>} : memref<128xi32, #tpu.memory_space<vmem>>, vector<16xi32>,
        %get3A_469 = arith.index_cast %add3A_450 : i32 to index
        %get3A_470 = arith.constant 16 : index
        %get3A_471 = tpu.vector_load %arg6[%get3A_469, %get3A_470] {strides = array<i32>} : memref<80x128xi32, #tpu.memory_space<vmem>>, vector<1x16xi32>,
        %get3A_472 = vector.shape_cast %get3A_471 : vector<1x16xi32> to vector<16xi32>
        %and3A_473 = arith.constant 65535 : i32
        %and3A_474 = vector.broadcast %and3A_473 : i32 to vector<16xi32>
        %and3A_475 = arith.andi %get3A_472, %and3A_474 : vector<16xi32>
        %swap3A_476 = arith.constant 16 : index
        %swap3A_477 = tpu.vector_load %arg12[%swap3A_476] {strides = array<i32>} : memref<128xi32, #tpu.memory_space<vmem>>, vector<16xi32>,
        %swap3A_478 = vector.shape_cast %swap3A_477 : vector<16xi32> to vector<16xi32>
        %swap3A_479 = vector.shape_cast %and3A_475 : vector<16xi32> to vector<16xi32>
        tpu.vector_store %arg12[%swap3A_476], %swap3A_479 {strides = array<i32>} : memref<128xi32, #tpu.memory_space<vmem>>, vector<16xi32>,
        %shift_right_logical3A_480 = arith.constant 16 : i32
        %shift_right_logical3A_481 = vector.broadcast %shift_right_logical3A_480 : i32 to vector<16xi32>
        %shift_right_logical3A_482 = arith.shrui %get3A_472, %shift_right_logical3A_481 : vector<16xi32>
        %swap3A_483 = arith.constant 16 : index
        %swap3A_484 = tpu.vector_load %arg16[%swap3A_483] {strides = array<i32>} : memref<128xi32, #tpu.memory_space<vmem>>, vector<16xi32>,
        %swap3A_485 = vector.shape_cast %swap3A_484 : vector<16xi32> to vector<16xi32>
        %swap3A_486 = vector.shape_cast %shift_right_logical3A_482 : vector<16xi32> to vector<16xi32>
        tpu.vector_store %arg16[%swap3A_483], %swap3A_486 {strides = array<i32>} : memref<128xi32, #tpu.memory_space<vmem>>, vector<16xi32>,
        %get3A_487 = arith.index_cast %add3A_450 : i32 to index
        %get3A_488 = arith.constant 32 : index
        %get3A_489 = tpu.vector_load %arg6[%get3A_487, %get3A_488] {strides = array<i32>} : memref<80x128xi32, #tpu.memory_space<vmem>>, vector<1x16xi32>,
        %get3A_490 = vector.shape_cast %get3A_489 : vector<1x16xi32> to vector<16xi32>
        %and3A_491 = arith.constant 65535 : i32
        %and3A_492 = vector.broadcast %and3A_491 : i32 to vector<16xi32>
        %and3A_493 = arith.andi %get3A_490, %and3A_492 : vector<16xi32>
        %swap3A_494 = arith.constant 32 : index
        %swap3A_495 = tpu.vector_load %arg12[%swap3A_494] {strides = array<i32>} : memref<128xi32, #tpu.memory_space<vmem>>, vector<16xi32>,
        %swap3A_496 = vector.shape_cast %swap3A_495 : vector<16xi32> to vector<16xi32>
        %swap3A_497 = vector.shape_cast %and3A_493 : vector<16xi32> to vector<16xi32>
        tpu.vector_store %arg12[%swap3A_494], %swap3A_497 {strides = array<i32>} : memref<128xi32, #tpu.memory_space<vmem>>, vector<16xi32>,
        %shift_right_logical3A_498 = arith.constant 16 : i32
        %shift_right_logical3A_499 = vector.broadcast %shift_right_logical3A_498 : i32 to vector<16xi32>
        %shift_right_logical3A_500 = arith.shrui %get3A_490, %shift_right_logical3A_499 : vector<16xi32>
        %swap3A_501 = arith.constant 32 : index
        %swap3A_502 = tpu.vector_load %arg16[%swap3A_501] {strides = array<i32>} : memref<128xi32, #tpu.memory_space<vmem>>, vector<16xi32>,
        %swap3A_503 = vector.shape_cast %swap3A_502 : vector<16xi32> to vector<16xi32>
        %swap3A_504 = vector.shape_cast %shift_right_logical3A_500 : vector<16xi32> to vector<16xi32>
        tpu.vector_store %arg16[%swap3A_501], %swap3A_504 {strides = array<i32>} : memref<128xi32, #tpu.memory_space<vmem>>, vector<16xi32>,
        %get3A_505 = arith.index_cast %add3A_450 : i32 to index
        %get3A_506 = arith.constant 48 : index
        %get3A_507 = tpu.vector_load %arg6[%get3A_505, %get3A_506] {strides = array<i32>} : memref<80x128xi32, #tpu.memory_space<vmem>>, vector<1x16xi32>,
        %get3A_508 = vector.shape_cast %get3A_507 : vector<1x16xi32> to vector<16xi32>
        %and3A_509 = arith.constant 65535 : i32
        %and3A_510 = vector.broadcast %and3A_509 : i32 to vector<16xi32>
        %and3A_511 = arith.andi %get3A_508, %and3A_510 : vector<16xi32>
        %swap3A_512 = arith.constant 48 : index
        %swap3A_513 = tpu.vector_load %arg12[%swap3A_512] {strides = array<i32>} : memref<128xi32, #tpu.memory_space<vmem>>, vector<16xi32>,
        %swap3A_514 = vector.shape_cast %swap3A_513 : vector<16xi32> to vector<16xi32>
        %swap3A_515 = vector.shape_cast %and3A_511 : vector<16xi32> to vector<16xi32>
        tpu.vector_store %arg12[%swap3A_512], %swap3A_515 {strides = array<i32>} : memref<128xi32, #tpu.memory_space<vmem>>, vector<16xi32>,
        %shift_right_logical3A_516 = arith.constant 16 : i32
        %shift_right_logical3A_517 = vector.broadcast %shift_right_logical3A_516 : i32 to vector<16xi32>
        %shift_right_logical3A_518 = arith.shrui %get3A_508, %shift_right_logical3A_517 : vector<16xi32>
        %swap3A_519 = arith.constant 48 : index
        %swap3A_520 = tpu.vector_load %arg16[%swap3A_519] {strides = array<i32>} : memref<128xi32, #tpu.memory_space<vmem>>, vector<16xi32>,
        %swap3A_521 = vector.shape_cast %swap3A_520 : vector<16xi32> to vector<16xi32>
        %swap3A_522 = vector.shape_cast %shift_right_logical3A_518 : vector<16xi32> to vector<16xi32>
        tpu.vector_store %arg16[%swap3A_519], %swap3A_522 {strides = array<i32>} : memref<128xi32, #tpu.memory_space<vmem>>, vector<16xi32>,
        %get3A_523 = arith.index_cast %add3A_450 : i32 to index
        %get3A_524 = arith.constant 64 : index
        %get3A_525 = tpu.vector_load %arg6[%get3A_523, %get3A_524] {strides = array<i32>} : memref<80x128xi32, #tpu.memory_space<vmem>>, vector<1x16xi32>,
        %get3A_526 = vector.shape_cast %get3A_525 : vector<1x16xi32> to vector<16xi32>
        %and3A_527 = arith.constant 65535 : i32
        %and3A_528 = vector.broadcast %and3A_527 : i32 to vector<16xi32>
        %and3A_529 = arith.andi %get3A_526, %and3A_528 : vector<16xi32>
        %swap3A_530 = arith.constant 64 : index
        %swap3A_531 = tpu.vector_load %arg12[%swap3A_530] {strides = array<i32>} : memref<128xi32, #tpu.memory_space<vmem>>, vector<16xi32>,
        %swap3A_532 = vector.shape_cast %swap3A_531 : vector<16xi32> to vector<16xi32>
        %swap3A_533 = vector.shape_cast %and3A_529 : vector<16xi32> to vector<16xi32>
        tpu.vector_store %arg12[%swap3A_530], %swap3A_533 {strides = array<i32>} : memref<128xi32, #tpu.memory_space<vmem>>, vector<16xi32>,
        %shift_right_logical3A_534 = arith.constant 16 : i32
        %shift_right_logical3A_535 = vector.broadcast %shift_right_logical3A_534 : i32 to vector<16xi32>
        %shift_right_logical3A_536 = arith.shrui %get3A_526, %shift_right_logical3A_535 : vector<16xi32>
        %swap3A_537 = arith.constant 64 : index
        %swap3A_538 = tpu.vector_load %arg16[%swap3A_537] {strides = array<i32>} : memref<128xi32, #tpu.memory_space<vmem>>, vector<16xi32>,
        %swap3A_539 = vector.shape_cast %swap3A_538 : vector<16xi32> to vector<16xi32>
        %swap3A_540 = vector.shape_cast %shift_right_logical3A_536 : vector<16xi32> to vector<16xi32>
        tpu.vector_store %arg16[%swap3A_537], %swap3A_540 {strides = array<i32>} : memref<128xi32, #tpu.memory_space<vmem>>, vector<16xi32>,
        %get3A_541 = arith.index_cast %add3A_450 : i32 to index
        %get3A_542 = arith.constant 80 : index
        %get3A_543 = tpu.vector_load %arg6[%get3A_541, %get3A_542] {strides = array<i32>} : memref<80x128xi32, #tpu.memory_space<vmem>>, vector<1x16xi32>,
        %get3A_544 = vector.shape_cast %get3A_543 : vector<1x16xi32> to vector<16xi32>
        %and3A_545 = arith.constant 65535 : i32
        %and3A_546 = vector.broadcast %and3A_545 : i32 to vector<16xi32>
        %and3A_547 = arith.andi %get3A_544, %and3A_546 : vector<16xi32>
        %swap3A_548 = arith.constant 80 : index
        %swap3A_549 = tpu.vector_load %arg12[%swap3A_548] {strides = array<i32>} : memref<128xi32, #tpu.memory_space<vmem>>, vector<16xi32>,
        %swap3A_550 = vector.shape_cast %swap3A_549 : vector<16xi32> to vector<16xi32>
        %swap3A_551 = vector.shape_cast %and3A_547 : vector<16xi32> to vector<16xi32>
        tpu.vector_store %arg12[%swap3A_548], %swap3A_551 {strides = array<i32>} : memref<128xi32, #tpu.memory_space<vmem>>, vector<16xi32>,
        %shift_right_logical3A_552 = arith.constant 16 : i32
        %shift_right_logical3A_553 = vector.broadcast %shift_right_logical3A_552 : i32 to vector<16xi32>
        %shift_right_logical3A_554 = arith.shrui %get3A_544, %shift_right_logical3A_553 : vector<16xi32>
        %swap3A_555 = arith.constant 80 : index
        %swap3A_556 = tpu.vector_load %arg16[%swap3A_555] {strides = array<i32>} : memref<128xi32, #tpu.memory_space<vmem>>, vector<16xi32>,
        %swap3A_557 = vector.shape_cast %swap3A_556 : vector<16xi32> to vector<16xi32>
        %swap3A_558 = vector.shape_cast %shift_right_logical3A_554 : vector<16xi32> to vector<16xi32>
        tpu.vector_store %arg16[%swap3A_555], %swap3A_558 {strides = array<i32>} : memref<128xi32, #tpu.memory_space<vmem>>, vector<16xi32>,
        %get3A_559 = arith.index_cast %add3A_450 : i32 to index
        %get3A_560 = arith.constant 96 : index
        %get3A_561 = tpu.vector_load %arg6[%get3A_559, %get3A_560] {strides = array<i32>} : memref<80x128xi32, #tpu.memory_space<vmem>>, vector<1x16xi32>,
        %get3A_562 = vector.shape_cast %get3A_561 : vector<1x16xi32> to vector<16xi32>
        %and3A_563 = arith.constant 65535 : i32
        %and3A_564 = vector.broadcast %and3A_563 : i32 to vector<16xi32>
        %and3A_565 = arith.andi %get3A_562, %and3A_564 : vector<16xi32>
        %swap3A_566 = arith.constant 96 : index
        %swap3A_567 = tpu.vector_load %arg12[%swap3A_566] {strides = array<i32>} : memref<128xi32, #tpu.memory_space<vmem>>, vector<16xi32>,
        %swap3A_568 = vector.shape_cast %swap3A_567 : vector<16xi32> to vector<16xi32>
        %swap3A_569 = vector.shape_cast %and3A_565 : vector<16xi32> to vector<16xi32>
        tpu.vector_store %arg12[%swap3A_566], %swap3A_569 {strides = array<i32>} : memref<128xi32, #tpu.memory_space<vmem>>, vector<16xi32>,
        %shift_right_logical3A_570 = arith.constant 16 : i32
        %shift_right_logical3A_571 = vector.broadcast %shift_right_logical3A_570 : i32 to vector<16xi32>
        %shift_right_logical3A_572 = arith.shrui %get3A_562, %shift_right_logical3A_571 : vector<16xi32>
        %swap3A_573 = arith.constant 96 : index
        %swap3A_574 = tpu.vector_load %arg16[%swap3A_573] {strides = array<i32>} : memref<128xi32, #tpu.memory_space<vmem>>, vector<16xi32>,
        %swap3A_575 = vector.shape_cast %swap3A_574 : vector<16xi32> to vector<16xi32>
        %swap3A_576 = vector.shape_cast %shift_right_logical3A_572 : vector<16xi32> to vector<16xi32>
        tpu.vector_store %arg16[%swap3A_573], %swap3A_576 {strides = array<i32>} : memref<128xi32, #tpu.memory_space<vmem>>, vector<16xi32>,
        %get3A_577 = arith.index_cast %add3A_450 : i32 to index
        %get3A_578 = arith.constant 112 : index
        %get3A_579 = tpu.vector_load %arg6[%get3A_577, %get3A_578] {strides = array<i32>} : memref<80x128xi32, #tpu.memory_space<vmem>>, vector<1x16xi32>,
        %get3A_580 = vector.shape_cast %get3A_579 : vector<1x16xi32> to vector<16xi32>
        %and3A_581 = arith.constant 65535 : i32
        %and3A_582 = vector.broadcast %and3A_581 : i32 to vector<16xi32>
        %and3A_583 = arith.andi %get3A_580, %and3A_582 : vector<16xi32>
        %swap3A_584 = arith.constant 112 : index
        %swap3A_585 = tpu.vector_load %arg12[%swap3A_584] {strides = array<i32>} : memref<128xi32, #tpu.memory_space<vmem>>, vector<16xi32>,
        %swap3A_586 = vector.shape_cast %swap3A_585 : vector<16xi32> to vector<16xi32>
        %swap3A_587 = vector.shape_cast %and3A_583 : vector<16xi32> to vector<16xi32>
        tpu.vector_store %arg12[%swap3A_584], %swap3A_587 {strides = array<i32>} : memref<128xi32, #tpu.memory_space<vmem>>, vector<16xi32>,
        %shift_right_logical3A_588 = arith.constant 16 : i32
        %shift_right_logical3A_589 = vector.broadcast %shift_right_logical3A_588 : i32 to vector<16xi32>
        %shift_right_logical3A_590 = arith.shrui %get3A_580, %shift_right_logical3A_589 : vector<16xi32>
        %swap3A_591 = arith.constant 112 : index
        %swap3A_592 = tpu.vector_load %arg16[%swap3A_591] {strides = array<i32>} : memref<128xi32, #tpu.memory_space<vmem>>, vector<16xi32>,
        %swap3A_593 = vector.shape_cast %swap3A_592 : vector<16xi32> to vector<16xi32>
        %swap3A_594 = vector.shape_cast %shift_right_logical3A_590 : vector<16xi32> to vector<16xi32>
        tpu.vector_store %arg16[%swap3A_591], %swap3A_594 {strides = array<i32>} : memref<128xi32, #tpu.memory_space<vmem>>, vector<16xi32>,
      } else {
      }
      %dma_wait3A_401 = arith.constant 0 : i32
      %dma_wait3A_402 = arith.constant 0 : i32
      %dma_wait3A_403 = tpu.memref_slice %arg2[%dma_wait3A_401, %dma_wait3A_402] : memref<10240x128xf32, #tpu.memory_space<hbm>> -> memref<10240x128xf32, #tpu.memory_space<hbm>>
      tpu.wait_indirect_dma semaphore(%arg19 : memref<!tpu.dma_semaphore, #tpu.memory_space<semaphore_mem>>) src(%dma_wait3A_403 : memref<10240x128xf32, #tpu.memory_space<hbm>>) dst(%arg8 : memref<128x128xf32, #tpu.memory_space<vmem>>)
      "tpu.region"() ({
        %run_scoped3A = tpu.sem_alloc : memref<!tpu.dma_semaphore, #tpu.memory_space<semaphore_mem>>
        %dma_start3A_449 = arith.constant 0 : i32
        %dma_start3A_450 = arith.constant 0 : i32
        %dma_start3A_451 = tpu.memref_slice %arg17[%dma_start3A_449, %dma_start3A_450] : memref<10240x128xf32, #tpu.memory_space<vmem_shared>> -> memref<10240x128xf32, #tpu.memory_space<vmem_shared>>
        tpu.enqueue_indirect_dma source(%arg8 : memref<128x128xf32, #tpu.memory_space<vmem>>) target(%dma_start3A_451 : memref<10240x128xf32, #tpu.memory_space<vmem_shared>>) offsets(%arg14 : memref<128xi32, #tpu.memory_space<vmem>>) semaphore(%run_scoped3A : memref<!tpu.dma_semaphore, #tpu.memory_space<semaphore_mem>>) {add = true}
        %dma_wait3A_452 = arith.constant 0 : i32
        %dma_wait3A_453 = arith.constant 0 : i32
        %dma_wait3A_454 = tpu.memref_slice %arg17[%dma_wait3A_452, %dma_wait3A_453] : memref<10240x128xf32, #tpu.memory_space<vmem_shared>> -> memref<10240x128xf32, #tpu.memory_space<vmem_shared>>
        tpu.wait_indirect_dma semaphore(%run_scoped3A : memref<!tpu.dma_semaphore, #tpu.memory_space<semaphore_mem>>) src(%arg8 : memref<128x128xf32, #tpu.memory_space<vmem>>) dst(%dma_wait3A_454 : memref<10240x128xf32, #tpu.memory_space<vmem_shared>>)
        tpu.yield
      }) : () -> ()
      %add3A_404 = arith.constant 2 : i32
      %add3A_405 = arith.addi %add3A_393, %add3A_404 : i32
      %lt3A_406 = arith.constant 80 : i32
      %lt3A_407 = arith.cmpi slt, %add3A_405, %lt3A_406 : i32
      %convert_element_type3A_408 = arith.extui %lt3A_407 : i1 to i32
      %cond3A_409 = arith.constant 0 : i32
      %cond3A_410 = arith.cmpi ne, %convert_element_type3A_408, %cond3A_409 : i32
      scf.if %cond3A_410 {
        %dma_start3A_449 = arith.constant 0 : i32
        %dma_start3A_450 = arith.constant 0 : i32
        %dma_start3A_451 = tpu.memref_slice %arg2[%dma_start3A_449, %dma_start3A_450] : memref<10240x128xf32, #tpu.memory_space<hbm>> -> memref<10240x128xf32, #tpu.memory_space<hbm>>
        tpu.enqueue_indirect_dma source(%dma_start3A_451 : memref<10240x128xf32, #tpu.memory_space<hbm>>) target(%arg8 : memref<128x128xf32, #tpu.memory_space<vmem>>) offsets(%arg12 : memref<128xi32, #tpu.memory_space<vmem>>) semaphore(%arg19 : memref<!tpu.dma_semaphore, #tpu.memory_space<semaphore_mem>>)
      } else {
      }
      %add3A_411 = arith.constant 2 : i32
      %add3A_412 = arith.addi %mul3A_375, %add3A_411 : i32
      %add3A_413 = arith.constant 2 : i32
      %add3A_414 = arith.addi %add3A_412, %add3A_413 : i32
      %lt3A_415 = arith.constant 80 : i32
      %lt3A_416 = arith.cmpi slt, %add3A_414, %lt3A_415 : i32
      %convert_element_type3A_417 = arith.extui %lt3A_416 : i1 to i32
      %cond3A_418 = arith.constant 0 : i32
      %cond3A_419 = arith.cmpi ne, %convert_element_type3A_417, %cond3A_418 : i32
      scf.if %cond3A_419 {
        %add3A_449 = arith.constant 2 : i32
        %add3A_450 = arith.addi %add3A_412, %add3A_449 : i32
        %get3A_451 = arith.index_cast %add3A_450 : i32 to index
        %get3A_452 = arith.constant 0 : index
        %get3A_453 = tpu.vector_load %arg6[%get3A_451, %get3A_452] {strides = array<i32>} : memref<80x128xi32, #tpu.memory_space<vmem>>, vector<1x16xi32>,
        %get3A_454 = vector.shape_cast %get3A_453 : vector<1x16xi32> to vector<16xi32>
        %and3A_455 = arith.constant 65535 : i32
        %and3A_456 = vector.broadcast %and3A_455 : i32 to vector<16xi32>
        %and3A_457 = arith.andi %get3A_454, %and3A_456 : vector<16xi32>
        %swap3A_458 = arith.constant 0 : index
        %swap3A_459 = tpu.vector_load %arg9[%swap3A_458] {strides = array<i32>} : memref<128xi32, #tpu.memory_space<vmem>>, vector<16xi32>,
        %swap3A_460 = vector.shape_cast %swap3A_459 : vector<16xi32> to vector<16xi32>
        %swap3A_461 = vector.shape_cast %and3A_457 : vector<16xi32> to vector<16xi32>
        tpu.vector_store %arg9[%swap3A_458], %swap3A_461 {strides = array<i32>} : memref<128xi32, #tpu.memory_space<vmem>>, vector<16xi32>,
        %shift_right_logical3A_462 = arith.constant 16 : i32
        %shift_right_logical3A_463 = vector.broadcast %shift_right_logical3A_462 : i32 to vector<16xi32>
        %shift_right_logical3A_464 = arith.shrui %get3A_454, %shift_right_logical3A_463 : vector<16xi32>
        %swap3A_465 = arith.constant 0 : index
        %swap3A_466 = tpu.vector_load %arg13[%swap3A_465] {strides = array<i32>} : memref<128xi32, #tpu.memory_space<vmem>>, vector<16xi32>,
        %swap3A_467 = vector.shape_cast %swap3A_466 : vector<16xi32> to vector<16xi32>
        %swap3A_468 = vector.shape_cast %shift_right_logical3A_464 : vector<16xi32> to vector<16xi32>
        tpu.vector_store %arg13[%swap3A_465], %swap3A_468 {strides = array<i32>} : memref<128xi32, #tpu.memory_space<vmem>>, vector<16xi32>,
        %get3A_469 = arith.index_cast %add3A_450 : i32 to index
        %get3A_470 = arith.constant 16 : index
        %get3A_471 = tpu.vector_load %arg6[%get3A_469, %get3A_470] {strides = array<i32>} : memref<80x128xi32, #tpu.memory_space<vmem>>, vector<1x16xi32>,
        %get3A_472 = vector.shape_cast %get3A_471 : vector<1x16xi32> to vector<16xi32>
        %and3A_473 = arith.constant 65535 : i32
        %and3A_474 = vector.broadcast %and3A_473 : i32 to vector<16xi32>
        %and3A_475 = arith.andi %get3A_472, %and3A_474 : vector<16xi32>
        %swap3A_476 = arith.constant 16 : index
        %swap3A_477 = tpu.vector_load %arg9[%swap3A_476] {strides = array<i32>} : memref<128xi32, #tpu.memory_space<vmem>>, vector<16xi32>,
        %swap3A_478 = vector.shape_cast %swap3A_477 : vector<16xi32> to vector<16xi32>
        %swap3A_479 = vector.shape_cast %and3A_475 : vector<16xi32> to vector<16xi32>
        tpu.vector_store %arg9[%swap3A_476], %swap3A_479 {strides = array<i32>} : memref<128xi32, #tpu.memory_space<vmem>>, vector<16xi32>,
        %shift_right_logical3A_480 = arith.constant 16 : i32
        %shift_right_logical3A_481 = vector.broadcast %shift_right_logical3A_480 : i32 to vector<16xi32>
        %shift_right_logical3A_482 = arith.shrui %get3A_472, %shift_right_logical3A_481 : vector<16xi32>
        %swap3A_483 = arith.constant 16 : index
        %swap3A_484 = tpu.vector_load %arg13[%swap3A_483] {strides = array<i32>} : memref<128xi32, #tpu.memory_space<vmem>>, vector<16xi32>,
        %swap3A_485 = vector.shape_cast %swap3A_484 : vector<16xi32> to vector<16xi32>
        %swap3A_486 = vector.shape_cast %shift_right_logical3A_482 : vector<16xi32> to vector<16xi32>
        tpu.vector_store %arg13[%swap3A_483], %swap3A_486 {strides = array<i32>} : memref<128xi32, #tpu.memory_space<vmem>>, vector<16xi32>,
        %get3A_487 = arith.index_cast %add3A_450 : i32 to index
        %get3A_488 = arith.constant 32 : index
        %get3A_489 = tpu.vector_load %arg6[%get3A_487, %get3A_488] {strides = array<i32>} : memref<80x128xi32, #tpu.memory_space<vmem>>, vector<1x16xi32>,
        %get3A_490 = vector.shape_cast %get3A_489 : vector<1x16xi32> to vector<16xi32>
        %and3A_491 = arith.constant 65535 : i32
        %and3A_492 = vector.broadcast %and3A_491 : i32 to vector<16xi32>
        %and3A_493 = arith.andi %get3A_490, %and3A_492 : vector<16xi32>
        %swap3A_494 = arith.constant 32 : index
        %swap3A_495 = tpu.vector_load %arg9[%swap3A_494] {strides = array<i32>} : memref<128xi32, #tpu.memory_space<vmem>>, vector<16xi32>,
        %swap3A_496 = vector.shape_cast %swap3A_495 : vector<16xi32> to vector<16xi32>
        %swap3A_497 = vector.shape_cast %and3A_493 : vector<16xi32> to vector<16xi32>
        tpu.vector_store %arg9[%swap3A_494], %swap3A_497 {strides = array<i32>} : memref<128xi32, #tpu.memory_space<vmem>>, vector<16xi32>,
        %shift_right_logical3A_498 = arith.constant 16 : i32
        %shift_right_logical3A_499 = vector.broadcast %shift_right_logical3A_498 : i32 to vector<16xi32>
        %shift_right_logical3A_500 = arith.shrui %get3A_490, %shift_right_logical3A_499 : vector<16xi32>
        %swap3A_501 = arith.constant 32 : index
        %swap3A_502 = tpu.vector_load %arg13[%swap3A_501] {strides = array<i32>} : memref<128xi32, #tpu.memory_space<vmem>>, vector<16xi32>,
        %swap3A_503 = vector.shape_cast %swap3A_502 : vector<16xi32> to vector<16xi32>
        %swap3A_504 = vector.shape_cast %shift_right_logical3A_500 : vector<16xi32> to vector<16xi32>
        tpu.vector_store %arg13[%swap3A_501], %swap3A_504 {strides = array<i32>} : memref<128xi32, #tpu.memory_space<vmem>>, vector<16xi32>,
        %get3A_505 = arith.index_cast %add3A_450 : i32 to index
        %get3A_506 = arith.constant 48 : index
        %get3A_507 = tpu.vector_load %arg6[%get3A_505, %get3A_506] {strides = array<i32>} : memref<80x128xi32, #tpu.memory_space<vmem>>, vector<1x16xi32>,
        %get3A_508 = vector.shape_cast %get3A_507 : vector<1x16xi32> to vector<16xi32>
        %and3A_509 = arith.constant 65535 : i32
        %and3A_510 = vector.broadcast %and3A_509 : i32 to vector<16xi32>
        %and3A_511 = arith.andi %get3A_508, %and3A_510 : vector<16xi32>
        %swap3A_512 = arith.constant 48 : index
        %swap3A_513 = tpu.vector_load %arg9[%swap3A_512] {strides = array<i32>} : memref<128xi32, #tpu.memory_space<vmem>>, vector<16xi32>,
        %swap3A_514 = vector.shape_cast %swap3A_513 : vector<16xi32> to vector<16xi32>
        %swap3A_515 = vector.shape_cast %and3A_511 : vector<16xi32> to vector<16xi32>
        tpu.vector_store %arg9[%swap3A_512], %swap3A_515 {strides = array<i32>} : memref<128xi32, #tpu.memory_space<vmem>>, vector<16xi32>,
        %shift_right_logical3A_516 = arith.constant 16 : i32
        %shift_right_logical3A_517 = vector.broadcast %shift_right_logical3A_516 : i32 to vector<16xi32>
        %shift_right_logical3A_518 = arith.shrui %get3A_508, %shift_right_logical3A_517 : vector<16xi32>
        %swap3A_519 = arith.constant 48 : index
        %swap3A_520 = tpu.vector_load %arg13[%swap3A_519] {strides = array<i32>} : memref<128xi32, #tpu.memory_space<vmem>>, vector<16xi32>,
        %swap3A_521 = vector.shape_cast %swap3A_520 : vector<16xi32> to vector<16xi32>
        %swap3A_522 = vector.shape_cast %shift_right_logical3A_518 : vector<16xi32> to vector<16xi32>
        tpu.vector_store %arg13[%swap3A_519], %swap3A_522 {strides = array<i32>} : memref<128xi32, #tpu.memory_space<vmem>>, vector<16xi32>,
        %get3A_523 = arith.index_cast %add3A_450 : i32 to index
        %get3A_524 = arith.constant 64 : index
        %get3A_525 = tpu.vector_load %arg6[%get3A_523, %get3A_524] {strides = array<i32>} : memref<80x128xi32, #tpu.memory_space<vmem>>, vector<1x16xi32>,
        %get3A_526 = vector.shape_cast %get3A_525 : vector<1x16xi32> to vector<16xi32>
        %and3A_527 = arith.constant 65535 : i32
        %and3A_528 = vector.broadcast %and3A_527 : i32 to vector<16xi32>
        %and3A_529 = arith.andi %get3A_526, %and3A_528 : vector<16xi32>
        %swap3A_530 = arith.constant 64 : index
        %swap3A_531 = tpu.vector_load %arg9[%swap3A_530] {strides = array<i32>} : memref<128xi32, #tpu.memory_space<vmem>>, vector<16xi32>,
        %swap3A_532 = vector.shape_cast %swap3A_531 : vector<16xi32> to vector<16xi32>
        %swap3A_533 = vector.shape_cast %and3A_529 : vector<16xi32> to vector<16xi32>
        tpu.vector_store %arg9[%swap3A_530], %swap3A_533 {strides = array<i32>} : memref<128xi32, #tpu.memory_space<vmem>>, vector<16xi32>,
        %shift_right_logical3A_534 = arith.constant 16 : i32
        %shift_right_logical3A_535 = vector.broadcast %shift_right_logical3A_534 : i32 to vector<16xi32>
        %shift_right_logical3A_536 = arith.shrui %get3A_526, %shift_right_logical3A_535 : vector<16xi32>
        %swap3A_537 = arith.constant 64 : index
        %swap3A_538 = tpu.vector_load %arg13[%swap3A_537] {strides = array<i32>} : memref<128xi32, #tpu.memory_space<vmem>>, vector<16xi32>,
        %swap3A_539 = vector.shape_cast %swap3A_538 : vector<16xi32> to vector<16xi32>
        %swap3A_540 = vector.shape_cast %shift_right_logical3A_536 : vector<16xi32> to vector<16xi32>
        tpu.vector_store %arg13[%swap3A_537], %swap3A_540 {strides = array<i32>} : memref<128xi32, #tpu.memory_space<vmem>>, vector<16xi32>,
        %get3A_541 = arith.index_cast %add3A_450 : i32 to index
        %get3A_542 = arith.constant 80 : index
        %get3A_543 = tpu.vector_load %arg6[%get3A_541, %get3A_542] {strides = array<i32>} : memref<80x128xi32, #tpu.memory_space<vmem>>, vector<1x16xi32>,
        %get3A_544 = vector.shape_cast %get3A_543 : vector<1x16xi32> to vector<16xi32>
        %and3A_545 = arith.constant 65535 : i32
        %and3A_546 = vector.broadcast %and3A_545 : i32 to vector<16xi32>
        %and3A_547 = arith.andi %get3A_544, %and3A_546 : vector<16xi32>
        %swap3A_548 = arith.constant 80 : index
        %swap3A_549 = tpu.vector_load %arg9[%swap3A_548] {strides = array<i32>} : memref<128xi32, #tpu.memory_space<vmem>>, vector<16xi32>,
        %swap3A_550 = vector.shape_cast %swap3A_549 : vector<16xi32> to vector<16xi32>
        %swap3A_551 = vector.shape_cast %and3A_547 : vector<16xi32> to vector<16xi32>
        tpu.vector_store %arg9[%swap3A_548], %swap3A_551 {strides = array<i32>} : memref<128xi32, #tpu.memory_space<vmem>>, vector<16xi32>,
        %shift_right_logical3A_552 = arith.constant 16 : i32
        %shift_right_logical3A_553 = vector.broadcast %shift_right_logical3A_552 : i32 to vector<16xi32>
        %shift_right_logical3A_554 = arith.shrui %get3A_544, %shift_right_logical3A_553 : vector<16xi32>
        %swap3A_555 = arith.constant 80 : index
        %swap3A_556 = tpu.vector_load %arg13[%swap3A_555] {strides = array<i32>} : memref<128xi32, #tpu.memory_space<vmem>>, vector<16xi32>,
        %swap3A_557 = vector.shape_cast %swap3A_556 : vector<16xi32> to vector<16xi32>
        %swap3A_558 = vector.shape_cast %shift_right_logical3A_554 : vector<16xi32> to vector<16xi32>
        tpu.vector_store %arg13[%swap3A_555], %swap3A_558 {strides = array<i32>} : memref<128xi32, #tpu.memory_space<vmem>>, vector<16xi32>,
        %get3A_559 = arith.index_cast %add3A_450 : i32 to index
        %get3A_560 = arith.constant 96 : index
        %get3A_561 = tpu.vector_load %arg6[%get3A_559, %get3A_560] {strides = array<i32>} : memref<80x128xi32, #tpu.memory_space<vmem>>, vector<1x16xi32>,
        %get3A_562 = vector.shape_cast %get3A_561 : vector<1x16xi32> to vector<16xi32>
        %and3A_563 = arith.constant 65535 : i32
        %and3A_564 = vector.broadcast %and3A_563 : i32 to vector<16xi32>
        %and3A_565 = arith.andi %get3A_562, %and3A_564 : vector<16xi32>
        %swap3A_566 = arith.constant 96 : index
        %swap3A_567 = tpu.vector_load %arg9[%swap3A_566] {strides = array<i32>} : memref<128xi32, #tpu.memory_space<vmem>>, vector<16xi32>,
        %swap3A_568 = vector.shape_cast %swap3A_567 : vector<16xi32> to vector<16xi32>
        %swap3A_569 = vector.shape_cast %and3A_565 : vector<16xi32> to vector<16xi32>
        tpu.vector_store %arg9[%swap3A_566], %swap3A_569 {strides = array<i32>} : memref<128xi32, #tpu.memory_space<vmem>>, vector<16xi32>,
        %shift_right_logical3A_570 = arith.constant 16 : i32
        %shift_right_logical3A_571 = vector.broadcast %shift_right_logical3A_570 : i32 to vector<16xi32>
        %shift_right_logical3A_572 = arith.shrui %get3A_562, %shift_right_logical3A_571 : vector<16xi32>
        %swap3A_573 = arith.constant 96 : index
        %swap3A_574 = tpu.vector_load %arg13[%swap3A_573] {strides = array<i32>} : memref<128xi32, #tpu.memory_space<vmem>>, vector<16xi32>,
        %swap3A_575 = vector.shape_cast %swap3A_574 : vector<16xi32> to vector<16xi32>
        %swap3A_576 = vector.shape_cast %shift_right_logical3A_572 : vector<16xi32> to vector<16xi32>
        tpu.vector_store %arg13[%swap3A_573], %swap3A_576 {strides = array<i32>} : memref<128xi32, #tpu.memory_space<vmem>>, vector<16xi32>,
        %get3A_577 = arith.index_cast %add3A_450 : i32 to index
        %get3A_578 = arith.constant 112 : index
        %get3A_579 = tpu.vector_load %arg6[%get3A_577, %get3A_578] {strides = array<i32>} : memref<80x128xi32, #tpu.memory_space<vmem>>, vector<1x16xi32>,
        %get3A_580 = vector.shape_cast %get3A_579 : vector<1x16xi32> to vector<16xi32>
        %and3A_581 = arith.constant 65535 : i32
        %and3A_582 = vector.broadcast %and3A_581 : i32 to vector<16xi32>
        %and3A_583 = arith.andi %get3A_580, %and3A_582 : vector<16xi32>
        %swap3A_584 = arith.constant 112 : index
        %swap3A_585 = tpu.vector_load %arg9[%swap3A_584] {strides = array<i32>} : memref<128xi32, #tpu.memory_space<vmem>>, vector<16xi32>,
        %swap3A_586 = vector.shape_cast %swap3A_585 : vector<16xi32> to vector<16xi32>
        %swap3A_587 = vector.shape_cast %and3A_583 : vector<16xi32> to vector<16xi32>
        tpu.vector_store %arg9[%swap3A_584], %swap3A_587 {strides = array<i32>} : memref<128xi32, #tpu.memory_space<vmem>>, vector<16xi32>,
        %shift_right_logical3A_588 = arith.constant 16 : i32
        %shift_right_logical3A_589 = vector.broadcast %shift_right_logical3A_588 : i32 to vector<16xi32>
        %shift_right_logical3A_590 = arith.shrui %get3A_580, %shift_right_logical3A_589 : vector<16xi32>
        %swap3A_591 = arith.constant 112 : index
        %swap3A_592 = tpu.vector_load %arg13[%swap3A_591] {strides = array<i32>} : memref<128xi32, #tpu.memory_space<vmem>>, vector<16xi32>,
        %swap3A_593 = vector.shape_cast %swap3A_592 : vector<16xi32> to vector<16xi32>
        %swap3A_594 = vector.shape_cast %shift_right_logical3A_590 : vector<16xi32> to vector<16xi32>
        tpu.vector_store %arg13[%swap3A_591], %swap3A_594 {strides = array<i32>} : memref<128xi32, #tpu.memory_space<vmem>>, vector<16xi32>,
      } else {
      }
      %dma_wait3A_420 = arith.constant 0 : i32
      %dma_wait3A_421 = arith.constant 0 : i32
      %dma_wait3A_422 = tpu.memref_slice %arg2[%dma_wait3A_420, %dma_wait3A_421] : memref<10240x128xf32, #tpu.memory_space<hbm>> -> memref<10240x128xf32, #tpu.memory_space<hbm>>
      tpu.wait_indirect_dma semaphore(%arg18 : memref<!tpu.dma_semaphore, #tpu.memory_space<semaphore_mem>>) src(%dma_wait3A_422 : memref<10240x128xf32, #tpu.memory_space<hbm>>) dst(%arg7 : memref<128x128xf32, #tpu.memory_space<vmem>>)
      "tpu.region"() ({
        %run_scoped3A = tpu.sem_alloc : memref<!tpu.dma_semaphore, #tpu.memory_space<semaphore_mem>>
        %dma_start3A_449 = arith.constant 0 : i32
        %dma_start3A_450 = arith.constant 0 : i32
        %dma_start3A_451 = tpu.memref_slice %arg17[%dma_start3A_449, %dma_start3A_450] : memref<10240x128xf32, #tpu.memory_space<vmem_shared>> -> memref<10240x128xf32, #tpu.memory_space<vmem_shared>>
        tpu.enqueue_indirect_dma source(%arg7 : memref<128x128xf32, #tpu.memory_space<vmem>>) target(%dma_start3A_451 : memref<10240x128xf32, #tpu.memory_space<vmem_shared>>) offsets(%arg15 : memref<128xi32, #tpu.memory_space<vmem>>) semaphore(%run_scoped3A : memref<!tpu.dma_semaphore, #tpu.memory_space<semaphore_mem>>) {add = true}
        %dma_wait3A_452 = arith.constant 0 : i32
        %dma_wait3A_453 = arith.constant 0 : i32
        %dma_wait3A_454 = tpu.memref_slice %arg17[%dma_wait3A_452, %dma_wait3A_453] : memref<10240x128xf32, #tpu.memory_space<vmem_shared>> -> memref<10240x128xf32, #tpu.memory_space<vmem_shared>>
        tpu.wait_indirect_dma semaphore(%run_scoped3A : memref<!tpu.dma_semaphore, #tpu.memory_space<semaphore_mem>>) src(%arg7 : memref<128x128xf32, #tpu.memory_space<vmem>>) dst(%dma_wait3A_454 : memref<10240x128xf32, #tpu.memory_space<vmem_shared>>)
        tpu.yield
      }) : () -> ()
      %add3A_423 = arith.constant 2 : i32
      %add3A_424 = arith.addi %add3A_412, %add3A_423 : i32
      %lt3A_425 = arith.constant 80 : i32
      %lt3A_426 = arith.cmpi slt, %add3A_424, %lt3A_425 : i32
      %convert_element_type3A_427 = arith.extui %lt3A_426 : i1 to i32
      %cond3A_428 = arith.constant 0 : i32
      %cond3A_429 = arith.cmpi ne, %convert_element_type3A_427, %cond3A_428 : i32
      scf.if %cond3A_429 {
        %dma_start3A_449 = arith.constant 0 : i32
        %dma_start3A_450 = arith.constant 0 : i32
        %dma_start3A_451 = tpu.memref_slice %arg2[%dma_start3A_449, %dma_start3A_450] : memref<10240x128xf32, #tpu.memory_space<hbm>> -> memref<10240x128xf32, #tpu.memory_space<hbm>>
        tpu.enqueue_indirect_dma source(%dma_start3A_451 : memref<10240x128xf32, #tpu.memory_space<hbm>>) target(%arg7 : memref<128x128xf32, #tpu.memory_space<vmem>>) offsets(%arg9 : memref<128xi32, #tpu.memory_space<vmem>>) semaphore(%arg18 : memref<!tpu.dma_semaphore, #tpu.memory_space<semaphore_mem>>)
      } else {
      }
      %add3A_430 = arith.constant 3 : i32
      %add3A_431 = arith.addi %mul3A_375, %add3A_430 : i32
      %add3A_432 = arith.constant 2 : i32
      %add3A_433 = arith.addi %add3A_431, %add3A_432 : i32
      %lt3A_434 = arith.constant 80 : i32
      %lt3A_435 = arith.cmpi slt, %add3A_433, %lt3A_434 : i32
      %convert_element_type3A_436 = arith.extui %lt3A_435 : i1 to i32
      %cond3A_437 = arith.constant 0 : i32
      %cond3A_438 = arith.cmpi ne, %convert_element_type3A_436, %cond3A_437 : i32
      scf.if %cond3A_438 {
        %add3A_449 = arith.constant 2 : i32
        %add3A_450 = arith.addi %add3A_431, %add3A_449 : i32
        %get3A_451 = arith.index_cast %add3A_450 : i32 to index
        %get3A_452 = arith.constant 0 : index
        %get3A_453 = tpu.vector_load %arg6[%get3A_451, %get3A_452] {strides = array<i32>} : memref<80x128xi32, #tpu.memory_space<vmem>>, vector<1x16xi32>,
        %get3A_454 = vector.shape_cast %get3A_453 : vector<1x16xi32> to vector<16xi32>
        %and3A_455 = arith.constant 65535 : i32
        %and3A_456 = vector.broadcast %and3A_455 : i32 to vector<16xi32>
        %and3A_457 = arith.andi %get3A_454, %and3A_456 : vector<16xi32>
        %swap3A_458 = arith.constant 0 : index
        %swap3A_459 = tpu.vector_load %arg10[%swap3A_458] {strides = array<i32>} : memref<128xi32, #tpu.memory_space<vmem>>, vector<16xi32>,
        %swap3A_460 = vector.shape_cast %swap3A_459 : vector<16xi32> to vector<16xi32>
        %swap3A_461 = vector.shape_cast %and3A_457 : vector<16xi32> to vector<16xi32>
        tpu.vector_store %arg10[%swap3A_458], %swap3A_461 {strides = array<i32>} : memref<128xi32, #tpu.memory_space<vmem>>, vector<16xi32>,
        %shift_right_logical3A_462 = arith.constant 16 : i32
        %shift_right_logical3A_463 = vector.broadcast %shift_right_logical3A_462 : i32 to vector<16xi32>
        %shift_right_logical3A_464 = arith.shrui %get3A_454, %shift_right_logical3A_463 : vector<16xi32>
        %swap3A_465 = arith.constant 0 : index
        %swap3A_466 = tpu.vector_load %arg14[%swap3A_465] {strides = array<i32>} : memref<128xi32, #tpu.memory_space<vmem>>, vector<16xi32>,
        %swap3A_467 = vector.shape_cast %swap3A_466 : vector<16xi32> to vector<16xi32>
        %swap3A_468 = vector.shape_cast %shift_right_logical3A_464 : vector<16xi32> to vector<16xi32>
        tpu.vector_store %arg14[%swap3A_465], %swap3A_468 {strides = array<i32>} : memref<128xi32, #tpu.memory_space<vmem>>, vector<16xi32>,
        %get3A_469 = arith.index_cast %add3A_450 : i32 to index
        %get3A_470 = arith.constant 16 : index
        %get3A_471 = tpu.vector_load %arg6[%get3A_469, %get3A_470] {strides = array<i32>} : memref<80x128xi32, #tpu.memory_space<vmem>>, vector<1x16xi32>,
        %get3A_472 = vector.shape_cast %get3A_471 : vector<1x16xi32> to vector<16xi32>
        %and3A_473 = arith.constant 65535 : i32
        %and3A_474 = vector.broadcast %and3A_473 : i32 to vector<16xi32>
        %and3A_475 = arith.andi %get3A_472, %and3A_474 : vector<16xi32>
        %swap3A_476 = arith.constant 16 : index
        %swap3A_477 = tpu.vector_load %arg10[%swap3A_476] {strides = array<i32>} : memref<128xi32, #tpu.memory_space<vmem>>, vector<16xi32>,
        %swap3A_478 = vector.shape_cast %swap3A_477 : vector<16xi32> to vector<16xi32>
        %swap3A_479 = vector.shape_cast %and3A_475 : vector<16xi32> to vector<16xi32>
        tpu.vector_store %arg10[%swap3A_476], %swap3A_479 {strides = array<i32>} : memref<128xi32, #tpu.memory_space<vmem>>, vector<16xi32>,
        %shift_right_logical3A_480 = arith.constant 16 : i32
        %shift_right_logical3A_481 = vector.broadcast %shift_right_logical3A_480 : i32 to vector<16xi32>
        %shift_right_logical3A_482 = arith.shrui %get3A_472, %shift_right_logical3A_481 : vector<16xi32>
        %swap3A_483 = arith.constant 16 : index
        %swap3A_484 = tpu.vector_load %arg14[%swap3A_483] {strides = array<i32>} : memref<128xi32, #tpu.memory_space<vmem>>, vector<16xi32>,
        %swap3A_485 = vector.shape_cast %swap3A_484 : vector<16xi32> to vector<16xi32>
        %swap3A_486 = vector.shape_cast %shift_right_logical3A_482 : vector<16xi32> to vector<16xi32>
        tpu.vector_store %arg14[%swap3A_483], %swap3A_486 {strides = array<i32>} : memref<128xi32, #tpu.memory_space<vmem>>, vector<16xi32>,
        %get3A_487 = arith.index_cast %add3A_450 : i32 to index
        %get3A_488 = arith.constant 32 : index
        %get3A_489 = tpu.vector_load %arg6[%get3A_487, %get3A_488] {strides = array<i32>} : memref<80x128xi32, #tpu.memory_space<vmem>>, vector<1x16xi32>,
        %get3A_490 = vector.shape_cast %get3A_489 : vector<1x16xi32> to vector<16xi32>
        %and3A_491 = arith.constant 65535 : i32
        %and3A_492 = vector.broadcast %and3A_491 : i32 to vector<16xi32>
        %and3A_493 = arith.andi %get3A_490, %and3A_492 : vector<16xi32>
        %swap3A_494 = arith.constant 32 : index
        %swap3A_495 = tpu.vector_load %arg10[%swap3A_494] {strides = array<i32>} : memref<128xi32, #tpu.memory_space<vmem>>, vector<16xi32>,
        %swap3A_496 = vector.shape_cast %swap3A_495 : vector<16xi32> to vector<16xi32>
        %swap3A_497 = vector.shape_cast %and3A_493 : vector<16xi32> to vector<16xi32>
        tpu.vector_store %arg10[%swap3A_494], %swap3A_497 {strides = array<i32>} : memref<128xi32, #tpu.memory_space<vmem>>, vector<16xi32>,
        %shift_right_logical3A_498 = arith.constant 16 : i32
        %shift_right_logical3A_499 = vector.broadcast %shift_right_logical3A_498 : i32 to vector<16xi32>
        %shift_right_logical3A_500 = arith.shrui %get3A_490, %shift_right_logical3A_499 : vector<16xi32>
        %swap3A_501 = arith.constant 32 : index
        %swap3A_502 = tpu.vector_load %arg14[%swap3A_501] {strides = array<i32>} : memref<128xi32, #tpu.memory_space<vmem>>, vector<16xi32>,
        %swap3A_503 = vector.shape_cast %swap3A_502 : vector<16xi32> to vector<16xi32>
        %swap3A_504 = vector.shape_cast %shift_right_logical3A_500 : vector<16xi32> to vector<16xi32>
        tpu.vector_store %arg14[%swap3A_501], %swap3A_504 {strides = array<i32>} : memref<128xi32, #tpu.memory_space<vmem>>, vector<16xi32>,
        %get3A_505 = arith.index_cast %add3A_450 : i32 to index
        %get3A_506 = arith.constant 48 : index
        %get3A_507 = tpu.vector_load %arg6[%get3A_505, %get3A_506] {strides = array<i32>} : memref<80x128xi32, #tpu.memory_space<vmem>>, vector<1x16xi32>,
        %get3A_508 = vector.shape_cast %get3A_507 : vector<1x16xi32> to vector<16xi32>
        %and3A_509 = arith.constant 65535 : i32
        %and3A_510 = vector.broadcast %and3A_509 : i32 to vector<16xi32>
        %and3A_511 = arith.andi %get3A_508, %and3A_510 : vector<16xi32>
        %swap3A_512 = arith.constant 48 : index
        %swap3A_513 = tpu.vector_load %arg10[%swap3A_512] {strides = array<i32>} : memref<128xi32, #tpu.memory_space<vmem>>, vector<16xi32>,
        %swap3A_514 = vector.shape_cast %swap3A_513 : vector<16xi32> to vector<16xi32>
        %swap3A_515 = vector.shape_cast %and3A_511 : vector<16xi32> to vector<16xi32>
        tpu.vector_store %arg10[%swap3A_512], %swap3A_515 {strides = array<i32>} : memref<128xi32, #tpu.memory_space<vmem>>, vector<16xi32>,
        %shift_right_logical3A_516 = arith.constant 16 : i32
        %shift_right_logical3A_517 = vector.broadcast %shift_right_logical3A_516 : i32 to vector<16xi32>
        %shift_right_logical3A_518 = arith.shrui %get3A_508, %shift_right_logical3A_517 : vector<16xi32>
        %swap3A_519 = arith.constant 48 : index
        %swap3A_520 = tpu.vector_load %arg14[%swap3A_519] {strides = array<i32>} : memref<128xi32, #tpu.memory_space<vmem>>, vector<16xi32>,
        %swap3A_521 = vector.shape_cast %swap3A_520 : vector<16xi32> to vector<16xi32>
        %swap3A_522 = vector.shape_cast %shift_right_logical3A_518 : vector<16xi32> to vector<16xi32>
        tpu.vector_store %arg14[%swap3A_519], %swap3A_522 {strides = array<i32>} : memref<128xi32, #tpu.memory_space<vmem>>, vector<16xi32>,
        %get3A_523 = arith.index_cast %add3A_450 : i32 to index
        %get3A_524 = arith.constant 64 : index
        %get3A_525 = tpu.vector_load %arg6[%get3A_523, %get3A_524] {strides = array<i32>} : memref<80x128xi32, #tpu.memory_space<vmem>>, vector<1x16xi32>,
        %get3A_526 = vector.shape_cast %get3A_525 : vector<1x16xi32> to vector<16xi32>
        %and3A_527 = arith.constant 65535 : i32
        %and3A_528 = vector.broadcast %and3A_527 : i32 to vector<16xi32>
        %and3A_529 = arith.andi %get3A_526, %and3A_528 : vector<16xi32>
        %swap3A_530 = arith.constant 64 : index
        %swap3A_531 = tpu.vector_load %arg10[%swap3A_530] {strides = array<i32>} : memref<128xi32, #tpu.memory_space<vmem>>, vector<16xi32>,
        %swap3A_532 = vector.shape_cast %swap3A_531 : vector<16xi32> to vector<16xi32>
        %swap3A_533 = vector.shape_cast %and3A_529 : vector<16xi32> to vector<16xi32>
        tpu.vector_store %arg10[%swap3A_530], %swap3A_533 {strides = array<i32>} : memref<128xi32, #tpu.memory_space<vmem>>, vector<16xi32>,
        %shift_right_logical3A_534 = arith.constant 16 : i32
        %shift_right_logical3A_535 = vector.broadcast %shift_right_logical3A_534 : i32 to vector<16xi32>
        %shift_right_logical3A_536 = arith.shrui %get3A_526, %shift_right_logical3A_535 : vector<16xi32>
        %swap3A_537 = arith.constant 64 : index
        %swap3A_538 = tpu.vector_load %arg14[%swap3A_537] {strides = array<i32>} : memref<128xi32, #tpu.memory_space<vmem>>, vector<16xi32>,
        %swap3A_539 = vector.shape_cast %swap3A_538 : vector<16xi32> to vector<16xi32>
        %swap3A_540 = vector.shape_cast %shift_right_logical3A_536 : vector<16xi32> to vector<16xi32>
        tpu.vector_store %arg14[%swap3A_537], %swap3A_540 {strides = array<i32>} : memref<128xi32, #tpu.memory_space<vmem>>, vector<16xi32>,
        %get3A_541 = arith.index_cast %add3A_450 : i32 to index
        %get3A_542 = arith.constant 80 : index
        %get3A_543 = tpu.vector_load %arg6[%get3A_541, %get3A_542] {strides = array<i32>} : memref<80x128xi32, #tpu.memory_space<vmem>>, vector<1x16xi32>,
        %get3A_544 = vector.shape_cast %get3A_543 : vector<1x16xi32> to vector<16xi32>
        %and3A_545 = arith.constant 65535 : i32
        %and3A_546 = vector.broadcast %and3A_545 : i32 to vector<16xi32>
        %and3A_547 = arith.andi %get3A_544, %and3A_546 : vector<16xi32>
        %swap3A_548 = arith.constant 80 : index
        %swap3A_549 = tpu.vector_load %arg10[%swap3A_548] {strides = array<i32>} : memref<128xi32, #tpu.memory_space<vmem>>, vector<16xi32>,
        %swap3A_550 = vector.shape_cast %swap3A_549 : vector<16xi32> to vector<16xi32>
        %swap3A_551 = vector.shape_cast %and3A_547 : vector<16xi32> to vector<16xi32>
        tpu.vector_store %arg10[%swap3A_548], %swap3A_551 {strides = array<i32>} : memref<128xi32, #tpu.memory_space<vmem>>, vector<16xi32>,
        %shift_right_logical3A_552 = arith.constant 16 : i32
        %shift_right_logical3A_553 = vector.broadcast %shift_right_logical3A_552 : i32 to vector<16xi32>
        %shift_right_logical3A_554 = arith.shrui %get3A_544, %shift_right_logical3A_553 : vector<16xi32>
        %swap3A_555 = arith.constant 80 : index
        %swap3A_556 = tpu.vector_load %arg14[%swap3A_555] {strides = array<i32>} : memref<128xi32, #tpu.memory_space<vmem>>, vector<16xi32>,
        %swap3A_557 = vector.shape_cast %swap3A_556 : vector<16xi32> to vector<16xi32>
        %swap3A_558 = vector.shape_cast %shift_right_logical3A_554 : vector<16xi32> to vector<16xi32>
        tpu.vector_store %arg14[%swap3A_555], %swap3A_558 {strides = array<i32>} : memref<128xi32, #tpu.memory_space<vmem>>, vector<16xi32>,
        %get3A_559 = arith.index_cast %add3A_450 : i32 to index
        %get3A_560 = arith.constant 96 : index
        %get3A_561 = tpu.vector_load %arg6[%get3A_559, %get3A_560] {strides = array<i32>} : memref<80x128xi32, #tpu.memory_space<vmem>>, vector<1x16xi32>,
        %get3A_562 = vector.shape_cast %get3A_561 : vector<1x16xi32> to vector<16xi32>
        %and3A_563 = arith.constant 65535 : i32
        %and3A_564 = vector.broadcast %and3A_563 : i32 to vector<16xi32>
        %and3A_565 = arith.andi %get3A_562, %and3A_564 : vector<16xi32>
        %swap3A_566 = arith.constant 96 : index
        %swap3A_567 = tpu.vector_load %arg10[%swap3A_566] {strides = array<i32>} : memref<128xi32, #tpu.memory_space<vmem>>, vector<16xi32>,
        %swap3A_568 = vector.shape_cast %swap3A_567 : vector<16xi32> to vector<16xi32>
        %swap3A_569 = vector.shape_cast %and3A_565 : vector<16xi32> to vector<16xi32>
        tpu.vector_store %arg10[%swap3A_566], %swap3A_569 {strides = array<i32>} : memref<128xi32, #tpu.memory_space<vmem>>, vector<16xi32>,
        %shift_right_logical3A_570 = arith.constant 16 : i32
        %shift_right_logical3A_571 = vector.broadcast %shift_right_logical3A_570 : i32 to vector<16xi32>
        %shift_right_logical3A_572 = arith.shrui %get3A_562, %shift_right_logical3A_571 : vector<16xi32>
        %swap3A_573 = arith.constant 96 : index
        %swap3A_574 = tpu.vector_load %arg14[%swap3A_573] {strides = array<i32>} : memref<128xi32, #tpu.memory_space<vmem>>, vector<16xi32>,
        %swap3A_575 = vector.shape_cast %swap3A_574 : vector<16xi32> to vector<16xi32>
        %swap3A_576 = vector.shape_cast %shift_right_logical3A_572 : vector<16xi32> to vector<16xi32>
        tpu.vector_store %arg14[%swap3A_573], %swap3A_576 {strides = array<i32>} : memref<128xi32, #tpu.memory_space<vmem>>, vector<16xi32>,
        %get3A_577 = arith.index_cast %add3A_450 : i32 to index
        %get3A_578 = arith.constant 112 : index
        %get3A_579 = tpu.vector_load %arg6[%get3A_577, %get3A_578] {strides = array<i32>} : memref<80x128xi32, #tpu.memory_space<vmem>>, vector<1x16xi32>,
        %get3A_580 = vector.shape_cast %get3A_579 : vector<1x16xi32> to vector<16xi32>
        %and3A_581 = arith.constant 65535 : i32
        %and3A_582 = vector.broadcast %and3A_581 : i32 to vector<16xi32>
        %and3A_583 = arith.andi %get3A_580, %and3A_582 : vector<16xi32>
        %swap3A_584 = arith.constant 112 : index
        %swap3A_585 = tpu.vector_load %arg10[%swap3A_584] {strides = array<i32>} : memref<128xi32, #tpu.memory_space<vmem>>, vector<16xi32>,
        %swap3A_586 = vector.shape_cast %swap3A_585 : vector<16xi32> to vector<16xi32>
        %swap3A_587 = vector.shape_cast %and3A_583 : vector<16xi32> to vector<16xi32>
        tpu.vector_store %arg10[%swap3A_584], %swap3A_587 {strides = array<i32>} : memref<128xi32, #tpu.memory_space<vmem>>, vector<16xi32>,
        %shift_right_logical3A_588 = arith.constant 16 : i32
        %shift_right_logical3A_589 = vector.broadcast %shift_right_logical3A_588 : i32 to vector<16xi32>
        %shift_right_logical3A_590 = arith.shrui %get3A_580, %shift_right_logical3A_589 : vector<16xi32>
        %swap3A_591 = arith.constant 112 : index
        %swap3A_592 = tpu.vector_load %arg14[%swap3A_591] {strides = array<i32>} : memref<128xi32, #tpu.memory_space<vmem>>, vector<16xi32>,
        %swap3A_593 = vector.shape_cast %swap3A_592 : vector<16xi32> to vector<16xi32>
        %swap3A_594 = vector.shape_cast %shift_right_logical3A_590 : vector<16xi32> to vector<16xi32>
        tpu.vector_store %arg14[%swap3A_591], %swap3A_594 {strides = array<i32>} : memref<128xi32, #tpu.memory_space<vmem>>, vector<16xi32>,
      } else {
      }
      %dma_wait3A_439 = arith.constant 0 : i32
      %dma_wait3A_440 = arith.constant 0 : i32
      %dma_wait3A_441 = tpu.memref_slice %arg2[%dma_wait3A_439, %dma_wait3A_440] : memref<10240x128xf32, #tpu.memory_space<hbm>> -> memref<10240x128xf32, #tpu.memory_space<hbm>>
      tpu.wait_indirect_dma semaphore(%arg19 : memref<!tpu.dma_semaphore, #tpu.memory_space<semaphore_mem>>) src(%dma_wait3A_441 : memref<10240x128xf32, #tpu.memory_space<hbm>>) dst(%arg8 : memref<128x128xf32, #tpu.memory_space<vmem>>)
      "tpu.region"() ({
        %run_scoped3A = tpu.sem_alloc : memref<!tpu.dma_semaphore, #tpu.memory_space<semaphore_mem>>
        %dma_start3A_449 = arith.constant 0 : i32
        %dma_start3A_450 = arith.constant 0 : i32
        %dma_start3A_451 = tpu.memref_slice %arg17[%dma_start3A_449, %dma_start3A_450] : memref<10240x128xf32, #tpu.memory_space<vmem_shared>> -> memref<10240x128xf32, #tpu.memory_space<vmem_shared>>
        tpu.enqueue_indirect_dma source(%arg8 : memref<128x128xf32, #tpu.memory_space<vmem>>) target(%dma_start3A_451 : memref<10240x128xf32, #tpu.memory_space<vmem_shared>>) offsets(%arg16 : memref<128xi32, #tpu.memory_space<vmem>>) semaphore(%run_scoped3A : memref<!tpu.dma_semaphore, #tpu.memory_space<semaphore_mem>>) {add = true}
        %dma_wait3A_452 = arith.constant 0 : i32
        %dma_wait3A_453 = arith.constant 0 : i32
        %dma_wait3A_454 = tpu.memref_slice %arg17[%dma_wait3A_452, %dma_wait3A_453] : memref<10240x128xf32, #tpu.memory_space<vmem_shared>> -> memref<10240x128xf32, #tpu.memory_space<vmem_shared>>
        tpu.wait_indirect_dma semaphore(%run_scoped3A : memref<!tpu.dma_semaphore, #tpu.memory_space<semaphore_mem>>) src(%arg8 : memref<128x128xf32, #tpu.memory_space<vmem>>) dst(%dma_wait3A_454 : memref<10240x128xf32, #tpu.memory_space<vmem_shared>>)
        tpu.yield
      }) : () -> ()
      %add3A_442 = arith.constant 2 : i32
      %add3A_443 = arith.addi %add3A_431, %add3A_442 : i32
      %lt3A_444 = arith.constant 80 : i32
      %lt3A_445 = arith.cmpi slt, %add3A_443, %lt3A_444 : i32
      %convert_element_type3A_446 = arith.extui %lt3A_445 : i1 to i32
      %cond3A_447 = arith.constant 0 : i32
      %cond3A_448 = arith.cmpi ne, %convert_element_type3A_446, %cond3A_447 : i32
      scf.if %cond3A_448 {
        %dma_start3A_449 = arith.constant 0 : i32
        %dma_start3A_450 = arith.constant 0 : i32
        %dma_start3A_451 = tpu.memref_slice %arg2[%dma_start3A_449, %dma_start3A_450] : memref<10240x128xf32, #tpu.memory_space<hbm>> -> memref<10240x128xf32, #tpu.memory_space<hbm>>
        tpu.enqueue_indirect_dma source(%dma_start3A_451 : memref<10240x128xf32, #tpu.memory_space<hbm>>) target(%arg8 : memref<128x128xf32, #tpu.memory_space<vmem>>) offsets(%arg10 : memref<128xi32, #tpu.memory_space<vmem>>) semaphore(%arg19 : memref<!tpu.dma_semaphore, #tpu.memory_space<semaphore_mem>>)
      } else {
      }
    }
    %scan3A_369 = arith.constant 20 : i32
    %barrier3A_370 = arith.constant 0 : index
    tpu.barrier barrier_id(%barrier3A_370)
    %mul3A_371 = arith.constant 640 : i32
    %mul3A_372 = arith.muli %arg1, %mul3A_371 : i32
    "tpu.region"() ({
      %run_scoped3A = tpu.sem_alloc : memref<!tpu.dma_semaphore, #tpu.memory_space<semaphore_mem>>
      %dma_start3A_373 = arith.constant 0 : i32
      %dma_start3A_374 = arith.constant 0 : i32
      %dma_start3A_375 = tpu.memref_slice %arg5[%arg0, %dma_start3A_373, %dma_start3A_374] : memref<2x10240x128xf32, #tpu.memory_space<hbm>> -> memref<1x10240x128xf32, #tpu.memory_space<hbm>>
      %dma_start3A_376 = tpu.memref_squeeze %dma_start3A_375 : memref<1x10240x128xf32, #tpu.memory_space<hbm>> -> memref<10240x128xf32, #tpu.memory_space<hbm>>
      %dma_start3A_377 = arith.constant 0 : i32
      %dma_start3A_378 = tpu.memref_slice %dma_start3A_376[%mul3A_372, %dma_start3A_377] : memref<10240x128xf32, #tpu.memory_space<hbm>> -> memref<640x128xf32, #tpu.memory_space<hbm>>
      %dma_start3A_379 = arith.constant 0 : i32
      %dma_start3A_380 = tpu.memref_slice %arg17[%mul3A_372, %dma_start3A_379] : memref<10240x128xf32, #tpu.memory_space<vmem_shared>> -> memref<640x128xf32, #tpu.memory_space<vmem_shared>>
      tpu.enqueue_dma source(%dma_start3A_380 : memref<640x128xf32, #tpu.memory_space<vmem_shared>>) target(%dma_start3A_378 : memref<640x128xf32, #tpu.memory_space<hbm>>) target_semaphore(%run_scoped3A : memref<!tpu.dma_semaphore, #tpu.memory_space<semaphore_mem>>)
      %dma_wait3A_381 = arith.constant 0 : i32
      %dma_wait3A_382 = arith.constant 0 : i32
      %dma_wait3A_383 = tpu.memref_slice %arg5[%arg0, %dma_wait3A_381, %dma_wait3A_382] : memref<2x10240x128xf32, #tpu.memory_space<hbm>> -> memref<1x10240x128xf32, #tpu.memory_space<hbm>>
      %dma_wait3A_384 = tpu.memref_squeeze %dma_wait3A_383 : memref<1x10240x128xf32, #tpu.memory_space<hbm>> -> memref<10240x128xf32, #tpu.memory_space<hbm>>
      %dma_wait3A_385 = arith.constant 0 : i32
      %dma_wait3A_386 = tpu.memref_slice %dma_wait3A_384[%mul3A_372, %dma_wait3A_385] : memref<10240x128xf32, #tpu.memory_space<hbm>> -> memref<640x128xf32, #tpu.memory_space<hbm>>
      %dma_wait3A_387 = arith.constant 0 : i32
      %dma_wait3A_388 = tpu.memref_slice %arg17[%mul3A_372, %dma_wait3A_387] : memref<10240x128xf32, #tpu.memory_space<vmem_shared>> -> memref<640x128xf32, #tpu.memory_space<vmem_shared>>
      tpu.wait_dma2 semaphore(%run_scoped3A : memref<!tpu.dma_semaphore, #tpu.memory_space<semaphore_mem>>) src(%dma_wait3A_388 : memref<640x128xf32, #tpu.memory_space<vmem_shared>>) dst(%dma_wait3A_386 : memref<640x128xf32, #tpu.memory_space<hbm>>)
      tpu.yield
    }) : () -> ()
    return
  }
}

module attributes {stable_mosaic.version = 14 : i64} {
  func.func @_prep_body(%arg0: i32, %arg1: memref<2000x128xf32, #tpu.memory_space<vmem>>, %arg2: memref<512x128xi32, #tpu.memory_space<vmem>>, %arg3: memref<512x128xi32, #tpu.memory_space<vmem>>, %arg4: memref<2000x128xf32, #tpu.memory_space<vmem>>, %arg5: memref<512x128xi32, #tpu.memory_space<vmem>>) attributes {dimension_semantics = [#tpu.dimension_semantics<arbitrary>], iteration_bounds = array<i64: 5>, scalar_prefetch = 0 : i64, scratch_operands = 0 : i64, tpu.core_type = #tpu.core_type<tc>, window_params = [{transform_indices = @transform_0, window_bounds = array<i64: 2000, 128>}, {transform_indices = @transform_1, window_bounds = array<i64: 512, 128>}, {transform_indices = @transform_2, window_bounds = array<i64: 512, 128>}, {transform_indices = @transform_3, window_bounds = array<i64: 2000, 128>}, {transform_indices = @transform_4, window_bounds = array<i64: 512, 128>}]} {
    %get3A = arith.constant 0 : index
    %get3A_0 = arith.constant 0 : index
    %get3A_1 = vector.load %arg1[%get3A, %get3A_0] : memref<2000x128xf32, #tpu.memory_space<vmem>>, vector<2000x128xf32>
    %max3A = arith.constant 0.000000e+00 : f32
    %max3A_2 = vector.broadcast %max3A : f32 to vector<2000x128xf32>
    %max3A_3 = arith.maximumf %get3A_1, %max3A_2 : vector<2000x128xf32>
    %swap3A = arith.constant 0 : index
    %swap3A_4 = arith.constant 0 : index
    %swap3A_5 = vector.load %arg4[%swap3A, %swap3A_4] : memref<2000x128xf32, #tpu.memory_space<vmem>>, vector<2000x128xf32>
    tpu.vector_store %arg4[%swap3A, %swap3A_4], %max3A_3 {strides = array<i32>} : memref<2000x128xf32, #tpu.memory_space<vmem>>, vector<2000x128xf32>,
    %mul3A = arith.constant 512 : i32
    %mul3A_6 = arith.muli %arg0, %mul3A : i32
    %iota3A = tpu.iota {dimensions = array<i32: 0>} : vector<512x128xi32>
    %add3A = vector.broadcast %mul3A_6 : i32 to vector<512x128xi32>
    %add3A_7 = arith.addi %add3A, %iota3A : vector<512x128xi32>
    %iota3A_8 = tpu.iota {dimensions = array<i32: 1>} : vector<512x128xi32>
    %mul3A_9 = arith.constant 128 : i32
    %mul3A_10 = vector.broadcast %mul3A_9 : i32 to vector<512x128xi32>
    %mul3A_11 = arith.muli %add3A_7, %mul3A_10 : vector<512x128xi32>
    %add3A_12 = arith.addi %mul3A_11, %iota3A_8 : vector<512x128xi32>
    %sub3A = arith.constant 320000 : i32
    %sub3A_13 = vector.broadcast %sub3A : i32 to vector<512x128xi32>
    %sub3A_14 = arith.subi %add3A_12, %sub3A_13 : vector<512x128xi32>
    %and3A = arith.constant 127 : i32
    %and3A_15 = vector.broadcast %and3A : i32 to vector<512x128xi32>
    %and3A_16 = arith.andi %sub3A_14, %and3A_15 : vector<512x128xi32>
    %add3A_17 = arith.constant 10000 : i32
    %add3A_18 = vector.broadcast %add3A_17 : i32 to vector<512x128xi32>
    %add3A_19 = arith.addi %add3A_18, %and3A_16 : vector<512x128xi32>
    %shift_left3A = arith.constant 16 : i32
    %shift_left3A_20 = vector.broadcast %shift_left3A : i32 to vector<512x128xi32>
    %shift_left3A_21 = arith.shli %add3A_19, %shift_left3A_20 : vector<512x128xi32>
    %or3A = arith.ori %sub3A_14, %shift_left3A_21 : vector<512x128xi32>
    %get3A_22 = arith.constant 0 : index
    %get3A_23 = arith.constant 0 : index
    %get3A_24 = vector.load %arg2[%get3A_22, %get3A_23] : memref<512x128xi32, #tpu.memory_space<vmem>>, vector<512x128xi32>
    %get3A_25 = arith.constant 0 : index
    %get3A_26 = arith.constant 0 : index
    %get3A_27 = vector.load %arg3[%get3A_25, %get3A_26] : memref<512x128xi32, #tpu.memory_space<vmem>>, vector<512x128xi32>
    %shift_left3A_28 = arith.constant 16 : i32
    %shift_left3A_29 = vector.broadcast %shift_left3A_28 : i32 to vector<512x128xi32>
    %shift_left3A_30 = arith.shli %get3A_27, %shift_left3A_29 : vector<512x128xi32>
    %or3A_31 = arith.ori %get3A_24, %shift_left3A_30 : vector<512x128xi32>
    %lt3A = arith.constant 2500 : i32
    %lt3A_32 = vector.broadcast %lt3A : i32 to vector<512x128xi32>
    %lt3A_33 = arith.cmpi slt, %add3A_7, %lt3A_32 : vector<512x128xi32>
    %select_n3A = arith.select %lt3A_33, %or3A_31, %or3A : vector<512x128xi1>, vector<512x128xi32>
    %swap3A_34 = arith.constant 0 : index
    %swap3A_35 = arith.constant 0 : index
    %swap3A_36 = vector.load %arg5[%swap3A_34, %swap3A_35] : memref<512x128xi32, #tpu.memory_space<vmem>>, vector<512x128xi32>
    tpu.vector_store %arg5[%swap3A_34, %swap3A_35], %select_n3A {strides = array<i32>} : memref<512x128xi32, #tpu.memory_space<vmem>>, vector<512x128xi32>,
    return
  }
  func.func @transform_0(%arg0: i32) -> (i32, i32) {
    %c0_i32 = arith.constant 0 : i32
    %c0_i32_0 = arith.constant 0 : i32
    return %arg0, %c0_i32 : i32, i32
  }
  func.func @transform_1(%arg0: i32) -> (i32, i32) {
    %c0_i32 = arith.constant 0 : i32
    %c0_i32_0 = arith.constant 0 : i32
    return %arg0, %c0_i32 : i32, i32
  }
  func.func @transform_2(%arg0: i32) -> (i32, i32) {
    %c0_i32 = arith.constant 0 : i32
    %c0_i32_0 = arith.constant 0 : i32
    return %arg0, %c0_i32 : i32, i32
  }
  func.func @transform_3(%arg0: i32) -> (i32, i32) {
    %c0_i32 = arith.constant 0 : i32
    %c0_i32_0 = arith.constant 0 : i32
    return %arg0, %c0_i32 : i32, i32
  }
  func.func @transform_4(%arg0: i32) -> (i32, i32) {
    %c0_i32 = arith.constant 0 : i32
    %c0_i32_0 = arith.constant 0 : i32
    return %arg0, %c0_i32 : i32, i32
  }
}

module attributes {stable_mosaic.version = 14 : i64} {
  func.func @_final_body(%arg0: i32, %arg1: memref<1x1xf32, #tpu.memory_space<smem>>, %arg2: memref<2000x128xf32, #tpu.memory_space<vmem>>, %arg3: memref<2x2000x128xf32, #tpu.memory_space<vmem>>, %arg4: memref<128x128xf32, #tpu.memory_space<vmem>>, %arg5: memref<1x128xf32, #tpu.memory_space<vmem>>, %arg6: memref<2000x128xf32, #tpu.memory_space<vmem>>) attributes {dimension_semantics = [#tpu.dimension_semantics<arbitrary>], iteration_bounds = array<i64: 5>, scalar_prefetch = 0 : i64, scratch_operands = 0 : i64, tpu.core_type = #tpu.core_type<tc>, window_params = [{transform_indices = @transform_0, window_bounds = array<i64: 1, 1>}, {transform_indices = @transform_1, window_bounds = array<i64: 2000, 128>}, {transform_indices = @transform_2, window_bounds = array<i64: 2, 2000, 128>}, {pipeline_mode = #tpu.pipeline_mode<synchronous>, transform_indices = @transform_3, window_bounds = array<i64: 128, 128>}, {pipeline_mode = #tpu.pipeline_mode<synchronous>, transform_indices = @transform_4, window_bounds = array<i64: 1, 128>}, {transform_indices = @transform_5, window_bounds = array<i64: 2000, 128>}]} {
    %get3A = arith.constant 0 : index
    %get3A_0 = arith.constant 0 : index
    %get3A_1 = memref.load %arg1[%get3A, %get3A_0] : memref<1x1xf32, #tpu.memory_space<smem>>
    %add3A = arith.constant 1.000000e+00 : f32
    %add3A_2 = arith.addf %add3A, %get3A_1 : f32
    %get3A_3 = arith.constant 0 : index
    %get3A_4 = arith.constant 0 : index
    %get3A_5 = vector.load %arg2[%get3A_3, %get3A_4] : memref<2000x128xf32, #tpu.memory_space<vmem>>, vector<2000x128xf32>
    %mul3A = vector.broadcast %add3A_2 : f32 to vector<2000x128xf32>
    %mul3A_6 = arith.mulf %mul3A, %get3A_5 : vector<2000x128xf32>
    %get3A_7 = arith.constant 0 : index
    %get3A_8 = arith.constant 0 : index
    %get3A_9 = arith.constant 0 : index
    %get3A_10 = vector.load %arg3[%get3A_7, %get3A_8, %get3A_9] : memref<2x2000x128xf32, #tpu.memory_space<vmem>>, vector<1x2000x128xf32>
    %get3A_11 = vector.shape_cast %get3A_10 : vector<1x2000x128xf32> to vector<2000x128xf32>
    %add3A_12 = arith.addf %mul3A_6, %get3A_11 : vector<2000x128xf32>
    %get3A_13 = arith.constant 1 : index
    %get3A_14 = arith.constant 0 : index
    %get3A_15 = arith.constant 0 : index
    %get3A_16 = vector.load %arg3[%get3A_13, %get3A_14, %get3A_15] : memref<2x2000x128xf32, #tpu.memory_space<vmem>>, vector<1x2000x128xf32>
    %get3A_17 = vector.shape_cast %get3A_16 : vector<1x2000x128xf32> to vector<2000x128xf32>
    %add3A_18 = arith.addf %add3A_12, %get3A_17 : vector<2000x128xf32>
    %get3A_19 = arith.constant 0 : index
    %get3A_20 = arith.constant 0 : index
    %get3A_21 = vector.load %arg4[%get3A_19, %get3A_20] : memref<128x128xf32, #tpu.memory_space<vmem>>, vector<128x128xf32>
    %dot_general3A = arith.constant dense<0.000000e+00> : vector<2000x128xf32>
    %dot_general3A_22 = tpu.matmul %add3A_18, %get3A_21, %dot_general3A {dimension_numbers = #tpu.dot_dimension_numbers<[1], [1], [0], [0], [0, 0, 1, 0], [], []>, transpose_lhs_hint = false} : vector<2000x128xf32>, vector<128x128xf32>, vector<2000x128xf32> -> vector<2000x128xf32>
    %get3A_23 = arith.constant 0 : index
    %get3A_24 = arith.constant 0 : index
    %get3A_25 = vector.load %arg5[%get3A_23, %get3A_24] : memref<1x128xf32, #tpu.memory_space<vmem>>, vector<1x128xf32>
    %add3A_26 = vector.broadcast %get3A_25 : vector<1x128xf32> to vector<2000x128xf32>
    %add3A_27 = arith.addf %dot_general3A_22, %add3A_26 : vector<2000x128xf32>
    %max3A = arith.constant 0.000000e+00 : f32
    %max3A_28 = vector.broadcast %max3A : f32 to vector<2000x128xf32>
    %max3A_29 = arith.maximumf %add3A_27, %max3A_28 : vector<2000x128xf32>
    %swap3A = arith.constant 0 : index
    %swap3A_30 = arith.constant 0 : index
    %swap3A_31 = vector.load %arg6[%swap3A, %swap3A_30] : memref<2000x128xf32, #tpu.memory_space<vmem>>, vector<2000x128xf32>
    tpu.vector_store %arg6[%swap3A, %swap3A_30], %max3A_29 {strides = array<i32>} : memref<2000x128xf32, #tpu.memory_space<vmem>>, vector<2000x128xf32>,
    return
  }
  func.func @transform_0(%arg0: i32) -> (i32, i32) {
    %c0_i32 = arith.constant 0 : i32
    %c0_i32_0 = arith.constant 0 : i32
    %c0_i32_1 = arith.constant 0 : i32
    return %c0_i32, %c0_i32_0 : i32, i32
  }
  func.func @transform_1(%arg0: i32) -> (i32, i32) {
    %c0_i32 = arith.constant 0 : i32
    %c0_i32_0 = arith.constant 0 : i32
    return %arg0, %c0_i32 : i32, i32
  }
  func.func @transform_2(%arg0: i32) -> (i32, i32, i32) {
    %c0_i32 = arith.constant 0 : i32
    %c0_i32_0 = arith.constant 0 : i32
    %c0_i32_1 = arith.constant 0 : i32
    return %c0_i32, %arg0, %c0_i32_0 : i32, i32, i32
  }
  func.func @transform_3(%arg0: i32) -> (i32, i32) {
    %c0_i32 = arith.constant 0 : i32
    %c0_i32_0 = arith.constant 0 : i32
    %c0_i32_1 = arith.constant 0 : i32
    return %c0_i32, %c0_i32_0 : i32, i32
  }
  func.func @transform_4(%arg0: i32) -> (i32, i32) {
    %c0_i32 = arith.constant 0 : i32
    %c0_i32_0 = arith.constant 0 : i32
    %c0_i32_1 = arith.constant 0 : i32
    return %c0_i32, %c0_i32_0 : i32, i32
  }
  func.func @transform_5(%arg0: i32) -> (i32, i32) {
    %c0_i32 = arith.constant 0 : i32
    %c0_i32_0 = arith.constant 0 : i32
    return %arg0, %c0_i32 : i32, i32
  }
}

</mosaic_0001>

<sc_bundles>
// kernel: kernel.5.cloned.1.call-start
scs
__scs_entry_jumppad:
0x0: {  	(pc) =	sbr.rel $0x88, $3  }
0x1: {  	(tag) =	ssettag $0x0;
	lr =	simm.s32 $0x1  }
0x2: {  	[smem:$0x3F9C] =	sst lr;
	_ =	strace $0xD0000000  }
0x3: {  	_ = 	snop  }
0x4: {  	_ = 	snop  }
0x5: {  	_ = 	snop  }
0x6: {  	_ = 	snop  }
0x7: {  	_ = 	snop  }
__scs_overlays_trampoline_lowered:
0x8: {  	[smem:$0x3FAB] =	sst s0  }
0x9: {  	[smem:$0x3FAC] =	sst s1  }
0xa: {  	[smem:$0x3FAD] =	sst s2  }
0xb: {  	[smem:$0x3FAE] =	sst s3  }
0xc: {  	[smem:$0x3FAF] =	sst s4  }
0xd: {  	[smem:$0x3FB0] =	sst s5  }
0xe: {  	[smem:$0x3FB1] =	sst s6  }
0xf: {  	[smem:$0x3FB2] =	sst s7  }
0x10: {  	[smem:$0x3FB3] =	sst s8  }
0x11: {  	[smem:$0x3FB4] =	sst s9;
	s0 =	simm.s32 @!p0 $0x0  }
0x12: {  	s1 =	sld [smem:$0x3F9A];
	s0 =	simm.s32 @p0 $0x1  }
0x13: {  	[smem:$0x3FB5] =	sst s0;
	s0 =	simm.s32 @!p1 $0x0  }
0x14: {  	s2 =	sld [smem:$0x3F99];
	s0 =	simm.s32 @p1 $0x1  }
0x15: {  	[smem:$0x3FB6] =	sst s0;
	s0 =	simm.s32 @!p2 $0x0  }
0x16: {  	s3 =	sld [smem:$0x3FDB];
	s0 =	simm.s32 @p2 $0x1  }
0x17: {  	s4 =	simm.s32 $0x1BF5;
	[smem:$0x3FB8] =	sst s0  }
0x18: {  	s0 =	sld [smem:$0x3F9B];
	_ =	swait.ge [sflag:s4], $0x0  }
0x19: {  	s7 =	sld [smem:$0x3F9C]  }
0x1a: {  	s8 =	sadd.s32 $0xFFFFE003, lr  }
0x1b: {  	s9 =	sadd.s32 $0xFFFFFEF7, lr;
	s5 =	simm.s32 $0xFFFFFFFF;
	p2 =	slt.u32 s8, $0xFFFFF086  }
0x1c: {  	p1 =	slt.u32 s9, $0xF7A;
	s5 =	simm.s32 @!p2 $0x0  }
0x1d: {  	s5 =	simm.s32 @p1 $0x1;
	p0 =	seq.s32 s7, s2  }
0x1e: {  	s7 =	smul.u32 @!p0 $0xF7A, s2;
	p2 =	seq.s32 @!p0 s5, $0x0  }
0x1f: {  	s9 =	smul.u32 $0xF7A, s1;
	s8 =	simm.s32 @!p0 $0x1BF5;
	p2 =	por !p2, p0  }
0x20: {  	[sflag:s8] =	ssyncset.s32 @!p0 $0xFFFFF086;
	s6 =	sadd.s32 @!p0 s3, s7;
	s7 =	simm.s32 @!p0 $0x108  }
0x21: {  	s3 =	sadd.s32 s3, s9;
	s6 =	sadd.s32 @!p0 $0x88, s6;
	s7 =	simm.s32 @p2 $0x1082  }
0x22: {  	[simem:s7], [sflag:s8] =	dma.local @!p0 [hbm:s6], $0xF7A  }
0x23: {  	s9 =	sor.u32 $0xD0000000, s2;
	s6 =	simm.s32 $0x108;
	_ =	swait.ge @!p0 [sflag:s8], $0x0  }
0x24: {  	s3 =	sadd.s32 $0x88, s3;
	s6 =	simm.s32 @!p1 $0x1082;
	[sflag:s4] =	ssyncset.s32 $0xFFFFF086  }
0x25: {  	[simem:s6], [sflag:s4] =	dma.local [hbm:s3], $0xF7A  }
0x26: {  	[smem:$0x3F9C] =	sst s1;
	(tag) =	ssettag s2;
	_ =	strace s9  }
0x27: {  	s1 =	sld [smem:$0x3FAC]  }
0x28: {  	s2 =	sld [smem:$0x3FAD]  }
0x29: {  	s4 =	sld [smem:$0x3FAF]  }
0x2a: {  	p0 =	seq.s32 s5, $0x0;
	s5 =	sld [smem:$0x3FB0]  }
0x2b: {  	s6 =	sld [smem:$0x3FB1]  }
0x2c: {  	s7 =	sld [smem:$0x3FB2]  }
0x2d: {  	s3 =	simm.s32 $0x108;
	s8 =	sld [smem:$0x3FB3]  }
0x2e: {  	s3 =	simm.s32 @!p0 $0x1082;
	s9 =	sld [smem:$0x3FB4]  }
0x2f: {  	lr =	sadd.s32 s0, s3;
	s0 =	sld [smem:$0x3FAB]  }
0x30: {  	s3 =	sld [smem:$0x3FAE]  }
0x31: {  	[smem:$0x3FB7] =	sst s10  }
0x32: {  	s10 =	sld [smem:$0x3FB5];
	_ =	sdelay $0x3  }
0x33: {  	p0 =	seq.s32 s10, $0x1;
	s10 =	sld [smem:$0x3FB7];
	_ =	sdelay $0x3  }
0x34: {  	[smem:$0x3FB7] =	sst s10  }
0x35: {  	s10 =	sld [smem:$0x3FB6];
	_ =	sdelay $0x3  }
0x36: {  	p1 =	seq.s32 s10, $0x1;
	s10 =	sld [smem:$0x3FB7];
	_ =	sdelay $0x3  }
0x37: {  	[smem:$0x3FB7] =	sst s10  }
0x38: {  	s10 =	sld [smem:$0x3FB8]  }
0x39: {  	_ = 	snop;
	(pc) =	sbr.ind lr, $3  }
0x3a: {  	_ = 	snop  }
0x3b: {  	_ = 	snop  }
0x3c: {  	p2 =	seq.s32 s10, $0x1;
	s10 =	sld [smem:$0x3FB7]  }
0x3d: {  	_ =	shalt  }
0x3e: {  	_ =	shalt  }
0x3f: {  	_ =	shalt  }
0x40: {  	_ =	shalt  }
0x41: {  	_ =	shalt  }
0x42: {  	_ =	shalt  }
0x43: {  	_ =	shalt  }
0x44: {  	_ =	shalt  }
0x45: {  	_ =	shalt  }
0x46: {  	_ =	shalt  }
0x47: {  	_ =	shalt  }
0x48: {  	_ =	shalt  }
0x49: {  	_ =	shalt  }
0x4a: {  	_ =	shalt  }
0x4b: {  	_ =	shalt  }
0x4c: {  	_ =	shalt  }
0x4d: {  	_ =	shalt  }
0x4e: {  	_ =	shalt  }
0x4f: {  	_ =	shalt  }
0x50: {  	_ =	shalt  }
0x51: {  	_ =	shalt  }
0x52: {  	_ =	shalt  }
0x53: {  	_ =	shalt  }
0x54: {  	_ =	shalt  }
0x55: {  	_ =	shalt  }
0x56: {  	_ =	shalt  }
0x57: {  	_ =	shalt  }
0x58: {  	_ =	shalt  }
0x59: {  	_ =	shalt  }
0x5a: {  	_ =	shalt  }
0x5b: {  	_ =	shalt  }
0x5c: {  	_ =	shalt  }
0x5d: {  	_ =	shalt  }
0x5e: {  	_ =	shalt  }
0x5f: {  	_ =	shalt  }
0x60: {  	_ =	shalt  }
0x61: {  	_ =	shalt  }
0x62: {  	_ =	shalt  }
0x63: {  	_ =	shalt  }
0x64: {  	_ =	shalt  }
0x65: {  	_ =	shalt  }
0x66: {  	_ =	shalt  }
0x67: {  	_ =	shalt  }
0x68: {  	_ =	shalt  }
0x69: {  	_ =	shalt  }
0x6a: {  	_ =	shalt  }
0x6b: {  	_ =	shalt  }
0x6c: {  	_ =	shalt  }
0x6d: {  	_ =	shalt  }
0x6e: {  	_ =	shalt  }
0x6f: {  	_ =	shalt  }
0x70: {  	_ =	shalt  }
0x71: {  	_ =	shalt  }
0x72: {  	_ =	shalt  }
0x73: {  	_ =	shalt  }
0x74: {  	_ =	shalt  }
0x75: {  	_ =	shalt  }
0x76: {  	_ =	shalt  }
0x77: {  	_ =	shalt  }
0x78: {  	_ =	shalt  }
0x79: {  	_ =	shalt  }
0x7a: {  	_ =	shalt  }
0x7b: {  	_ =	shalt  }
0x7c: {  	_ =	shalt  }
0x7d: {  	_ =	shalt  }
0x7e: {  	_ =	shalt  }
0x7f: {  	_ =	shalt  }
0x80: {  	_ =	shalt  }
0x81: {  	_ =	shalt  }
0x82: {  	_ =	shalt  }
0x83: {  	_ =	shalt  }
0x84: {  	_ =	shalt  }
0x85: {  	_ =	shalt  }
0x86: {  	_ =	shalt  }
0x87: {  	_ =	shalt  }
.Lfunc_end0:
.L_simem_size_0:
called_computation_lowered:
.L_overlay_start_0:
0x88: {  	s2 =	sld [smem:$0x3FD9]  }
0x89: {  	s3 =	sld [smem:$0x3FFE];
	_ =	sdelay $0x1  }
0x8a: {  	s1 =	srdreg.scid  }
0x8b: {  	s0 =	sand.u32 $0x1, s1  }
0x8c: {  	s17 =	sshll.u32 s0, $0xA;
	s2 =	sadd.s32 s3, s2  }
0x8d: {  	s2 =	sadd.s32 s2, s17  }
0x8e: {  	[smem:$0x3FC3] =	sst s2  }
0x8f: {  	_ = 	snop  }
0x90: {  	s2 =	sld [smem:$0x3FD0];
	(tm) =	ssettm $0x1  }
0x91: {  	s18 =	sld [smem:$0x3FFB];
	_ =	sdelay $0x3  }
0x92: {  	_ =	strace s18  }
0x93: {  	s3 =	sld [smem:$0x3FFC];
	_ =	sdelay $0x3  }
0x94: {  	_ =	strace s3  }
0x95: {  	s3 =	sld [smem:$0x3FFD];
	_ =	sdelay $0x3  }
0x96: {  	_ =	strace s3  }
0x97: {  	_ =	strace $0x8FFFFFFF  }
0x98: {  	s19 =	sld [smem:$0x3FDB];
	_ =	sdelay $0x1  }
0x99: {  	s4 =	simm.s32 $_scs_section_size  }
0x9a: {  	s5 =	simm.s32 $_size__tile_overlayer_lowered;
	s6 =	simm.s32 $_tile_overlayer_lowered  }
0x9b: {  	s22 =	simm.s32 $0x1BFF;
	s21 =	sshll.u32 s6, $0x1;
	s3 =	sadd.s32 s4, s19  }
0x9c: {  	s7 =	simm.s32 $0x0;
	s20 =	sshll.u32 s5, $0x1;
	s5 =	sadd.s32 s21, s3  }
0x9d: {  	[timem:s7], [sflag:s22] =	dma.local [hbm:s5], s20  }
0x9e: {  	_ =	swait.ge [sflag:s22], s20  }
0x9f: {  	s4 =	ssub.s32 $0x0, s20;
	[sflag:s22] =	ssyncset.done $0x0  }
0xa0: {  	[sflag:s22] =	ssyncadd.s32 s4;
	_ =	sdelay $0x1  }
0xa1: {  	s23 =	simm.s32 $0x1B8B  }
0xa2: {  	_ =	swait.ge [sflag:s23], $0x1  }
0xa3: {  	[sflag:s23] =	ssyncset.done $0x0  }
0xa4: {  	s25 =	simm.s32 $0x1B8E;
	s24 =	sld [smem:$0x3FFE];
	[sflag:s23] =	ssyncadd.s32 $0xFFFFFFFF  }
0xa5: {  	s26 =	simm.s32 $execute0_lowered;
	[smem:$0x3FD2] =	sst s25  }
0xa6: {  	s5 =	sshll.u32 s26, $0x1;
	_ =	strace $0x80000046;
	[dreg:$0x1] =	wrdreg $0xFFFFFFFF  }
0xa7: {  	s28 =	simm.s32 $_size_execute0_lowered;
	s3 =	sadd.s32 s3, s5;
	[dreg:$0x0] =	wrdreg $0x0  }
0xa8: {  	s5 =	sshll.u32 s28, $0x1;
	[dreg:$0x2] =	wrdreg s3  }
0xa9: {  	[dreg:$0x3] =	wrdreg s5  }
0xaa: {  	[dreg:$0x4] =	wrdreg $0xC0  }
0xab: {  	_ =	task [dreg:s7], $0x5FFFF  }
0xac: {  	[dreg:$0x1] =	wrdreg $0xFFFFFFFF  }
0xad: {  	[dreg:$0x0] =	wrdreg $0x60  }
0xae: {  	[dreg:$0x2] =	wrdreg s24  }
0xaf: {  	[dreg:$0x3] =	wrdreg s2  }
0xb0: {  	[dreg:$0x4] =	wrdreg $0xAC000  }
0xb1: {  	[dreg:$0x5] =	wrdreg $0x9  }
0xb2: {  	_ =	task.clear_ibuf [dreg:s7], $0x6FFFF;
	_ =	strace $0x90000046  }
0xb3: {  	s29 =	simm.s32 $0x9;
	_ =	strace $0x80000048  }
0xb4: {  	_ =	swait.ge [sflag:s29], $0x1  }
0xb5: {  	[sflag:s29] =	ssyncadd.s32 $0xFFFFFFFF  }
0xb6: {  	_ =	strace $0x90000048  }
0xb7: {  	_ =	sfence  }
0xb8: {  	s30 =	sld [smem:$0x0];
	_ =	sdelay $0x2  }
0xb9: {  	s31 =	sshll.u32 s1, $0xD;
	s1 =	sshrl.u32 s1, $0x2  }
0xba: {  	s3 =	sand.u32 $0x4000, s31;
	s1 =	sadd.s32 s1, s30  }
0xbb: {  	s0 =	sor.u32 s3, s0;
	s1 =	sshll.u32 s1, $0x11  }
0xbc: {  	s0 =	sor.u32 s1, s0  }
0xbd: {  	s0 =	sadd.s32 $0x8F2B, s0  }
0xbe: {  	[sflag:s0] =	ssyncadd.remote.s32 $0x1  }
0xbf: {  	_ =	sfence.sel $0xFFFF  }
0xc0: {  	[dreg:$0x0] =	wrdreg $0xFFFFFFFF;
	(pc) =	sbr.abs _section_cstart, $3  }
0xc1: {  	[dreg:$0x1] =	wrdreg $0xFFFFFFFF  }
0xc2: {  	_ =	task.clear_ibuf [dreg:s7], $0x2FFFF;
	_ =	strace $0x9FFFFFFF  }
0xc3: {  	(tm) =	ssettm $0x7FFFFFFF  }
tec
execute0_lowered:
.L_overlay_start_1:
0x0: {  	(tag) =	ssettag $0x1  }
0x1: {  	s0 =	rddreg [dreg:$0x0]  }
0x2: {  	s2 =	rddreg [dreg:$0x1]  }
0x3: {  	s1 =	rddreg [dreg:$0x2];
	s3 =	simm.s32 $0x0  }
0x4: {  	s23 =	srdreg.scid;
	s16 =	stileid.u32;
	s17 =	simm.s32 $0xA800  }
0x5: {  	s18 =	simm.s32 $0x2800;
	s19 =	simm.s32 $0xA880;
	s20 =	simm.s32 $0x6800  }
0x6: {  	s21 =	simm.s32 $0x3;
	s22 =	simm.s32 $0x1;
	s28 =	simm.s32 $0xAA80  }
0x7: {  	s29 =	simm.s32 $0xA980;
	s30 =	simm.s32 $0xAB00;
	s31 =	simm.s32 $0xAB80  }
0x8: {  	[smem:$0x7FF] =	sst s3;
	s4 =	sadd.s32 $0xA00, s0;
	s3 =	sand.u32 $0x1, s23  }
0x9: {  	s5 =	sadd.s32 $0x28A00, s0;
	s9 =	smul.u32 $0x50000, s16;
	s24 =	sshll.u32 s16, $0x1  }
0xa: {  	s26 =	smul.u32 $0x2800, s16;
	s23 =	simm.s32 $0xAA00;
	_ =	strace $0x80000047  }
0xb: {  	s6 =	smul.u32 $0x28000, s3;
	s7 =	ssub.s32 $0x2, s3;
	s3 =	sor.u32 s3, s24  }
0xc: {  	s8 =	sshrl.u32 s7, $0x1;
	s25 =	sshrl.u32 s9, $0x2;
	s3 =	smul.u32 $0x500, s3  }
0xd: {  	s0 =	sadd.s32 s6, s0;
	s10 =	ssub.s32 s7, s8;
	s6 =	sshll.u32 s16, $0x6  }
0xe: {  	s11 =	sadd.s32 s25, s1;
	s16 =	simm.s32 $0x80;
	s25 =	simm.s32 $0xA900  }
0xf: {  	s7 =	sor.u32 $0x1C03, s6;
	s12 =	sadd.s32 $0x4000, s11;
	s13 =	sadd.s32 $0x8000, s11  }
.Ltmp0:
0x10: {  	s14 =	sadd.s32 $0xC000, s11;
	s15 =	sadd.s32 $0x10000, s11;
	(pc) =	sbr.rel .LBB2_1-.Ltmp0, $4  }
0x11: {  	s8 =	sadd.s32 s2, s3;
	s0 =	sadd.s32 $0x29200, s0;
	s9 =	smax.u32 s10, $0x1  }
0x12: {  	s10 =	sshrl.u32 s11, $0x3;
	s11 =	sshrl.u32 s12, $0x3;
	s12 =	sshrl.u32 s13, $0x3  }
0x13: {  	s13 =	sshrl.u32 s14, $0x3;
	s14 =	sshrl.u32 s15, $0x3;
	s15 =	simm.s32 $0x4  }
0x14: {  	s24 =	sadd.s32 s26, s0;
	s26 =	simm.s32 $0x2;
	s0 =	simm.s32 $0x0  }
.LBB2_4:
0x15: {  	_ =	swait.ge [sflag:s22], $0x4000  }
0x16: {  	[sflag:s22] =	ssyncset.done $0x0  }
0x17: {  	[sflag:s22] =	ssyncadd.s32 $0xFFFFC000  }
0x18: {  	[spmem:s1] =	stream.indirect.scatter.add.f32 [tilespmem:s18], [sflag:$0x4], $0x80, s30, s16, $0xb8;
	[tilespmem:$0x1EC00] =	vst v63  }
0x19: {  	_ =	swait.ge [sflag:s15], $0x4000  }
0x1a: {  	[sflag:s15] =	ssyncset.done $0x0  }
0x1b: {  	[sflag:s15] =	ssyncadd.s32 $0xFFFFC000  }
0x1c: {  	_ =	swait.ge [sflag:s26], $0x4000  }
0x1d: {  	[sflag:s26] =	ssyncset.done $0x0  }
0x1e: {  	[sflag:s26] =	ssyncadd.s32 $0xFFFFC000  }
0x1f: {  	[spmem:s1] =	stream.indirect.scatter.add.f32 [tilespmem:s20], [sflag:$0x4], $0x80, s31, s16, $0xb8;
	[tilespmem:$0x1EC00] =	vst v63  }
0x20: {  	_ =	swait.ge [sflag:s15], $0x4000  }
0x21: {  	s0 =	sadd.s32 $0x1, s0;
	[sflag:s15] =	ssyncset.done $0x0  }
0x22: {  	p0 =	sne.s32 s0, s9;
	[sflag:s15] =	ssyncadd.s32 $0xFFFFC000  }
.Ltmp1:
0x23: {  	s2 =	sor.u32 $0x1C04, s6;
	[bflag:$0x0] =	sbarrier.arrive $0xFFFF;
	(pc) =	sbr.rel @!p0 .LBB2_5-.Ltmp1, $4  }
0x24: {  	[hbm:s24], [sflag:s2] =	dma.local [spmem:s10], $0x2800  }
0x25: {  	_ =	swait.ge [sflag:s15], $0x2800  }
0x26: {  	[sflag:s15] =	ssyncset.done $0x0  }
0x27: {  	[sflag:s15] =	ssyncadd.s32 $0xFFFFD800  }
.LBB2_1:
0x28: {  	[spmem:s10], [sflag:s7] =	dma.local [hbm:s5], $0x800  }
0x29: {  	s2 =	simm.s32 $0x0  }
0x2a: {  	[spmem:s11], [sflag:s7] =	dma.local [hbm:s5], $0x800  }
0x2b: {  	[spmem:s12], [sflag:s7] =	dma.local [hbm:s5], $0x800  }
0x2c: {  	[spmem:s13], [sflag:s7] =	dma.local [hbm:s5], $0x800  }
0x2d: {  	[spmem:s14], [sflag:s7] =	dma.local [hbm:s5], $0x800  }
0x2e: {  	[tilespmem:s2], [sflag:$0x4] =	stream.linear.gather [hbm4b:s8+s2], $0x2800, $0x38;
	[tilespmem:$0x1EC00] =	vst v63  }
0x2f: {  	_ =	swait.ge [sflag:s15], $0x2800  }
0x30: {  	[sflag:s15] =	ssyncset.done $0x0  }
0x31: {  	[sflag:s15] =	ssyncadd.s32 $0xFFFFD800  }
0x32: {  	v0 =	vld [tilespmem:$0x0];
	_ =	sdelay $0x1  }
0x33: {  	v1 =	vld [tilespmem:$0x10];
	_ =	sdelay $0x1  }
0x34: {  	v2 =	vld [tilespmem:$0x20]  }
0x35: {  	v3 =	vand.u32 $0xFFFF, v0  }
0x36: {  	v21 =	vld [tilespmem:$0x30];
	v0 =	vshrl.u32 v0, $0x10;
	[tilespmem:$0xA800] =	vst v3  }
0x37: {  	v22 =	vand.u32 $0xFFFF, v1;
	[tilespmem:$0xAA00] =	vst v0  }
0x38: {  	v24 =	vld [tilespmem:$0x40];
	v23 =	vshrl.u32 v1, $0x10;
	[tilespmem:$0xA810] =	vst v22  }
0x39: {  	v25 =	vand.u32 $0xFFFF, v2;
	[tilespmem:$0xAA10] =	vst v23  }
0x3a: {  	v27 =	vld [tilespmem:$0x50];
	v26 =	vshrl.u32 v2, $0x10;
	[tilespmem:$0xA820] =	vst v25  }
0x3b: {  	v28 =	vand.u32 $0xFFFF, v21;
	[tilespmem:$0xAA20] =	vst v26  }
0x3c: {  	v30 =	vld [tilespmem:$0x60];
	v29 =	vshrl.u32 v21, $0x10;
	[tilespmem:$0xA830] =	vst v28  }
0x3d: {  	v31 =	vand.u32 $0xFFFF, v24;
	[tilespmem:$0xAA30] =	vst v29  }
0x3e: {  	v33 =	vld [tilespmem:$0x70];
	v32 =	vshrl.u32 v24, $0x10;
	[tilespmem:$0xA840] =	vst v31  }
0x3f: {  	v34 =	vand.u32 $0xFFFF, v27;
	[tilespmem:$0xAA40] =	vst v32  }
0x40: {  	v36 =	vld [tilespmem:$0x80];
	v35 =	vshrl.u32 v27, $0x10;
	[tilespmem:$0xA850] =	vst v34  }
0x41: {  	v37 =	vand.u32 $0xFFFF, v30;
	[tilespmem:$0xAA50] =	vst v35  }
0x42: {  	v39 =	vld [tilespmem:$0x90];
	v38 =	vshrl.u32 v30, $0x10;
	[tilespmem:$0xA860] =	vst v37  }
0x43: {  	v40 =	vand.u32 $0xFFFF, v33;
	[tilespmem:$0xAA60] =	vst v38  }
0x44: {  	v42 =	vld [tilespmem:$0xA0];
	v41 =	vshrl.u32 v33, $0x10;
	[tilespmem:$0xA870] =	vst v40  }
0x45: {  	v43 =	vand.u32 $0xFFFF, v36;
	[tilespmem:$0xAA70] =	vst v41  }
0x46: {  	v45 =	vld [tilespmem:$0xB0];
	v44 =	vshrl.u32 v36, $0x10;
	[tilespmem:$0xA880] =	vst v43  }
0x47: {  	v46 =	vand.u32 $0xFFFF, v39;
	[tilespmem:$0xAA80] =	vst v44  }
0x48: {  	v48 =	vld [tilespmem:$0xC0];
	v47 =	vshrl.u32 v39, $0x10;
	[tilespmem:$0xA890] =	vst v46  }
0x49: {  	v49 =	vand.u32 $0xFFFF, v42;
	[tilespmem:$0xAA90] =	vst v47  }
0x4a: {  	v51 =	vld [tilespmem:$0xD0];
	v50 =	vshrl.u32 v42, $0x10;
	[tilespmem:$0xA8A0] =	vst v49  }
0x4b: {  	v52 =	vand.u32 $0xFFFF, v45;
	[tilespmem:$0xAAA0] =	vst v50  }
0x4c: {  	v54 =	vld [tilespmem:$0xE0];
	v53 =	vshrl.u32 v45, $0x10;
	[tilespmem:$0xA8B0] =	vst v52  }
0x4d: {  	v55 =	vand.u32 $0xFFFF, v48;
	[tilespmem:$0xAAB0] =	vst v53  }
0x4e: {  	v57 =	vld [tilespmem:$0xF0];
	v56 =	vshrl.u32 v48, $0x10;
	[tilespmem:$0xA8C0] =	vst v55  }
0x4f: {  	v58 =	vand.u32 $0xFFFF, v51;
	[tilespmem:$0xAAC0] =	vst v56  }
0x50: {  	v59 =	vshrl.u32 v51, $0x10;
	[tilespmem:$0xA8D0] =	vst v58  }
0x51: {  	v60 =	vand.u32 $0xFFFF, v54;
	[tilespmem:$0xAAD0] =	vst v59  }
0x52: {  	v61 =	vshrl.u32 v54, $0x10;
	[tilespmem:$0xA8E0] =	vst v60  }
0x53: {  	v62 =	vand.u32 $0xFFFF, v57;
	[tilespmem:$0xAAE0] =	vst v61  }
0x54: {  	v63 =	vshrl.u32 v57, $0x10;
	[tilespmem:$0xA8F0] =	vst v62  }
0x55: {  	[tilespmem:$0xAAF0] =	vst v63  }
0x56: {  	[tilespmem:s18], [sflag:$0x1] =	stream.indirect.gather [hbm4b:s4+s16], $0x80, s17, s16, $0xb8;
	[tilespmem:$0x1EC00] =	vst v63  }
0x57: {  	_ = 	snop  }
0x58: {  	[tilespmem:s20], [sflag:$0x2] =	stream.indirect.gather [hbm4b:s4+s16], $0x80, s19, s16, $0xb8;
	[tilespmem:$0x1EC00] =	vst v63  }
0x59: {  	_ =	swait.ge [sflag:s21], $0x800  }
0x5a: {  	[sflag:s21] =	ssyncset.done $0x0  }
0x5b: {  	[sflag:s21] =	ssyncadd.s32 $0xFFFFF800  }
0x5c: {  	_ =	swait.ge [sflag:s21], $0x800  }
0x5d: {  	[sflag:s21] =	ssyncset.done $0x0  }
0x5e: {  	[sflag:s21] =	ssyncadd.s32 $0xFFFFF800  }
0x5f: {  	_ =	swait.ge [sflag:s21], $0x800  }
0x60: {  	[sflag:s21] =	ssyncset.done $0x0  }
0x61: {  	[sflag:s21] =	ssyncadd.s32 $0xFFFFF800  }
0x62: {  	_ =	swait.ge [sflag:s21], $0x800  }
0x63: {  	[sflag:s21] =	ssyncset.done $0x0  }
0x64: {  	[sflag:s21] =	ssyncadd.s32 $0xFFFFF800  }
0x65: {  	_ =	swait.ge [sflag:s21], $0x800  }
0x66: {  	[sflag:s21] =	ssyncset.done $0x0  }
0x67: {  	[sflag:s21] =	ssyncadd.s32 $0xFFFFF800  }
0x68: {  	s3 =	simm.s32 $0x0;
	[bflag:$0x0] =	sbarrier.arrive $0xFFFF  }
.LBB2_2:
0x69: {  	s2 =	sshra.s32 s3, $0x2  }
0x6a: {  	v0 =	vld [tilespmem:s2+$0x100];
	_ =	sdelay $0x4  }
0x6b: {  	v1 =	vand.u32 $0xFFFF, v0  }
0x6c: {  	v0 =	vshrl.u32 v0, $0x10;
	[tilespmem:$0xA900] =	vst v1  }
0x6d: {  	[tilespmem:$0xAB00] =	vst v0  }
0x6e: {  	v0 =	vld [tilespmem:s2+$0x110];
	_ =	sdelay $0x4  }
0x6f: {  	v48 =	vand.u32 $0xFFFF, v0  }
0x70: {  	v0 =	vshrl.u32 v0, $0x10;
	[tilespmem:$0xA910] =	vst v48  }
0x71: {  	[tilespmem:$0xAB10] =	vst v0  }
0x72: {  	v0 =	vld [tilespmem:s2+$0x120];
	_ =	sdelay $0x4  }
0x73: {  	v49 =	vand.u32 $0xFFFF, v0  }
0x74: {  	v0 =	vshrl.u32 v0, $0x10;
	[tilespmem:$0xA920] =	vst v49  }
0x75: {  	[tilespmem:$0xAB20] =	vst v0  }
0x76: {  	v0 =	vld [tilespmem:s2+$0x130];
	_ =	sdelay $0x4  }
0x77: {  	v50 =	vand.u32 $0xFFFF, v0  }
0x78: {  	v0 =	vshrl.u32 v0, $0x10;
	[tilespmem:$0xA930] =	vst v50  }
0x79: {  	[tilespmem:$0xAB30] =	vst v0  }
0x7a: {  	v0 =	vld [tilespmem:s2+$0x140];
	_ =	sdelay $0x4  }
0x7b: {  	v51 =	vand.u32 $0xFFFF, v0  }
0x7c: {  	v0 =	vshrl.u32 v0, $0x10;
	[tilespmem:$0xA940] =	vst v51  }
0x7d: {  	[tilespmem:$0xAB40] =	vst v0  }
0x7e: {  	v0 =	vld [tilespmem:s2+$0x150];
	_ =	sdelay $0x4  }
0x7f: {  	v52 =	vand.u32 $0xFFFF, v0  }
0x80: {  	v0 =	vshrl.u32 v0, $0x10;
	[tilespmem:$0xA950] =	vst v52  }
0x81: {  	[tilespmem:$0xAB50] =	vst v0  }
0x82: {  	v0 =	vld [tilespmem:s2+$0x160];
	_ =	sdelay $0x4  }
0x83: {  	v53 =	vand.u32 $0xFFFF, v0  }
0x84: {  	v0 =	vshrl.u32 v0, $0x10;
	[tilespmem:$0xA960] =	vst v53  }
0x85: {  	[tilespmem:$0xAB60] =	vst v0  }
0x86: {  	v0 =	vld [tilespmem:s2+$0x170];
	_ =	sdelay $0x4  }
0x87: {  	v54 =	vand.u32 $0xFFFF, v0  }
0x88: {  	v0 =	vshrl.u32 v0, $0x10;
	[tilespmem:$0xA970] =	vst v54  }
0x89: {  	[tilespmem:$0xAB70] =	vst v0  }
0x8a: {  	_ =	swait.ge [sflag:s22], $0x4000  }
0x8b: {  	[sflag:s22] =	ssyncset.done $0x0  }
0x8c: {  	[sflag:s22] =	ssyncadd.s32 $0xFFFFC000  }
0x8d: {  	[spmem:s1] =	stream.indirect.scatter.add.f32 [tilespmem:s18], [sflag:$0x4], $0x80, s23, s16, $0xb8;
	[tilespmem:$0x1EC00] =	vst v63  }
0x8e: {  	_ =	swait.ge [sflag:s15], $0x4000  }
0x8f: {  	[sflag:s15] =	ssyncset.done $0x0  }
0x90: {  	[sflag:s15] =	ssyncadd.s32 $0xFFFFC000  }
0x91: {  	[tilespmem:s18], [sflag:$0x1] =	stream.indirect.gather [hbm4b:s4+s16], $0x80, s25, s16, $0xb8;
	[tilespmem:$0x1EC00] =	vst v63  }
0x92: {  	v55 =	vld [tilespmem:s2+$0x180];
	_ =	sdelay $0x4  }
0x93: {  	v56 =	vand.u32 $0xFFFF, v55  }
0x94: {  	v0 =	vshrl.u32 v55, $0x10;
	[tilespmem:$0xA980] =	vst v56  }
0x95: {  	[tilespmem:$0xAB80] =	vst v0  }
0x96: {  	v0 =	vld [tilespmem:s2+$0x190];
	_ =	sdelay $0x4  }
0x97: {  	v57 =	vand.u32 $0xFFFF, v0  }
0x98: {  	v0 =	vshrl.u32 v0, $0x10;
	[tilespmem:$0xA990] =	vst v57  }
0x99: {  	[tilespmem:$0xAB90] =	vst v0  }
0x9a: {  	v0 =	vld [tilespmem:s2+$0x1A0];
	_ =	sdelay $0x4  }
0x9b: {  	v58 =	vand.u32 $0xFFFF, v0  }
0x9c: {  	v0 =	vshrl.u32 v0, $0x10;
	[tilespmem:$0xA9A0] =	vst v58  }
0x9d: {  	[tilespmem:$0xABA0] =	vst v0  }
0x9e: {  	v0 =	vld [tilespmem:s2+$0x1B0];
	_ =	sdelay $0x4  }
0x9f: {  	v59 =	vand.u32 $0xFFFF, v0  }
0xa0: {  	v0 =	vshrl.u32 v0, $0x10;
	[tilespmem:$0xA9B0] =	vst v59  }
0xa1: {  	[tilespmem:$0xABB0] =	vst v0  }
0xa2: {  	v0 =	vld [tilespmem:s2+$0x1C0];
	_ =	sdelay $0x4  }
0xa3: {  	v60 =	vand.u32 $0xFFFF, v0  }
0xa4: {  	v0 =	vshrl.u32 v0, $0x10;
	[tilespmem:$0xA9C0] =	vst v60  }
0xa5: {  	[tilespmem:$0xABC0] =	vst v0  }
0xa6: {  	v0 =	vld [tilespmem:s2+$0x1D0];
	_ =	sdelay $0x4  }
0xa7: {  	v61 =	vand.u32 $0xFFFF, v0  }
0xa8: {  	v0 =	vshrl.u32 v0, $0x10;
	[tilespmem:$0xA9D0] =	vst v61  }
0xa9: {  	[tilespmem:$0xABD0] =	vst v0  }
0xaa: {  	v0 =	vld [tilespmem:s2+$0x1E0];
	_ =	sdelay $0x4  }
0xab: {  	v62 =	vand.u32 $0xFFFF, v0  }
0xac: {  	v0 =	vshrl.u32 v0, $0x10;
	[tilespmem:$0xA9E0] =	vst v62  }
0xad: {  	[tilespmem:$0xABE0] =	vst v0  }
0xae: {  	v0 =	vld [tilespmem:s2+$0x1F0];
	_ =	sdelay $0x4  }
0xaf: {  	v63 =	vand.u32 $0xFFFF, v0  }
0xb0: {  	v0 =	vshrl.u32 v0, $0x10;
	[tilespmem:$0xA9F0] =	vst v63  }
0xb1: {  	[tilespmem:$0xABF0] =	vst v0  }
0xb2: {  	_ =	swait.ge [sflag:s26], $0x4000  }
0xb3: {  	[sflag:s26] =	ssyncset.done $0x0  }
0xb4: {  	p0 =	seq.s32 s3, $0x9800;
	[sflag:s26] =	ssyncadd.s32 $0xFFFFC000  }
0xb5: {  	[spmem:s1] =	stream.indirect.scatter.add.f32 [tilespmem:s20], [sflag:$0x4], $0x80, s28, s16, $0xb8;
	[tilespmem:$0x1EC00] =	vst v63  }
.Ltmp2:
0xb6: {  	_ = 	snop;
	(pc) =	sbr.rel @p0 .LBB2_4-.Ltmp2, $4  }
0xb7: {  	_ =	swait.ge [sflag:s15], $0x4000  }
0xb8: {  	[sflag:s15] =	ssyncset.done $0x0  }
0xb9: {  	[sflag:s15] =	ssyncadd.s32 $0xFFFFC000  }
0xba: {  	[tilespmem:s20], [sflag:$0x2] =	stream.indirect.gather [hbm4b:s4+s16], $0x80, s29, s16, $0xb8;
	[tilespmem:$0x1EC00] =	vst v63  }
0xbb: {  	v0 =	vld [tilespmem:s2+$0x200];
	_ =	sdelay $0x4  }
0xbc: {  	v1 =	vand.u32 $0xFFFF, v0  }
0xbd: {  	v0 =	vshrl.u32 v0, $0x10;
	[tilespmem:$0xA800] =	vst v1  }
0xbe: {  	[tilespmem:$0xAA00] =	vst v0  }
0xbf: {  	v0 =	vld [tilespmem:s2+$0x210];
	_ =	sdelay $0x4  }
0xc0: {  	v48 =	vand.u32 $0xFFFF, v0  }
0xc1: {  	v0 =	vshrl.u32 v0, $0x10;
	[tilespmem:$0xA810] =	vst v48  }
0xc2: {  	[tilespmem:$0xAA10] =	vst v0  }
0xc3: {  	v0 =	vld [tilespmem:s2+$0x220];
	_ =	sdelay $0x4  }
0xc4: {  	v49 =	vand.u32 $0xFFFF, v0  }
0xc5: {  	v0 =	vshrl.u32 v0, $0x10;
	[tilespmem:$0xA820] =	vst v49  }
0xc6: {  	[tilespmem:$0xAA20] =	vst v0  }
0xc7: {  	v0 =	vld [tilespmem:s2+$0x230];
	_ =	sdelay $0x4  }
0xc8: {  	v50 =	vand.u32 $0xFFFF, v0  }
0xc9: {  	v0 =	vshrl.u32 v0, $0x10;
	[tilespmem:$0xA830] =	vst v50  }
0xca: {  	[tilespmem:$0xAA30] =	vst v0  }
0xcb: {  	v0 =	vld [tilespmem:s2+$0x240];
	_ =	sdelay $0x4  }
0xcc: {  	v51 =	vand.u32 $0xFFFF, v0  }
0xcd: {  	v0 =	vshrl.u32 v0, $0x10;
	[tilespmem:$0xA840] =	vst v51  }
0xce: {  	[tilespmem:$0xAA40] =	vst v0  }
0xcf: {  	v0 =	vld [tilespmem:s2+$0x250];
	_ =	sdelay $0x4  }
0xd0: {  	v52 =	vand.u32 $0xFFFF, v0  }
0xd1: {  	v0 =	vshrl.u32 v0, $0x10;
	[tilespmem:$0xA850] =	vst v52  }
0xd2: {  	[tilespmem:$0xAA50] =	vst v0  }
0xd3: {  	v0 =	vld [tilespmem:s2+$0x260];
	_ =	sdelay $0x4  }
0xd4: {  	v53 =	vand.u32 $0xFFFF, v0  }
0xd5: {  	v0 =	vshrl.u32 v0, $0x10;
	[tilespmem:$0xA860] =	vst v53  }
0xd6: {  	[tilespmem:$0xAA60] =	vst v0  }
0xd7: {  	v0 =	vld [tilespmem:s2+$0x270];
	_ =	sdelay $0x4  }
0xd8: {  	v54 =	vand.u32 $0xFFFF, v0  }
0xd9: {  	v0 =	vshrl.u32 v0, $0x10;
	[tilespmem:$0xA870] =	vst v54  }
0xda: {  	[tilespmem:$0xAA70] =	vst v0  }
0xdb: {  	_ =	swait.ge [sflag:s22], $0x4000  }
0xdc: {  	[sflag:s22] =	ssyncset.done $0x0  }
0xdd: {  	[sflag:s22] =	ssyncadd.s32 $0xFFFFC000  }
0xde: {  	[spmem:s1] =	stream.indirect.scatter.add.f32 [tilespmem:s18], [sflag:$0x4], $0x80, s30, s16, $0xb8;
	[tilespmem:$0x1EC00] =	vst v63  }
0xdf: {  	_ =	swait.ge [sflag:s15], $0x4000  }
0xe0: {  	[sflag:s15] =	ssyncset.done $0x0  }
0xe1: {  	[sflag:s15] =	ssyncadd.s32 $0xFFFFC000  }
0xe2: {  	[tilespmem:s18], [sflag:$0x1] =	stream.indirect.gather [hbm4b:s4+s16], $0x80, s17, s16, $0xb8;
	[tilespmem:$0x1EC00] =	vst v63  }
0xe3: {  	v55 =	vld [tilespmem:s2+$0x280];
	_ =	sdelay $0x4  }
0xe4: {  	v56 =	vand.u32 $0xFFFF, v55  }
0xe5: {  	v0 =	vshrl.u32 v55, $0x10;
	[tilespmem:$0xA880] =	vst v56  }
0xe6: {  	[tilespmem:$0xAA80] =	vst v0  }
0xe7: {  	v0 =	vld [tilespmem:s2+$0x290];
	_ =	sdelay $0x4  }
0xe8: {  	v57 =	vand.u32 $0xFFFF, v0  }
0xe9: {  	v0 =	vshrl.u32 v0, $0x10;
	[tilespmem:$0xA890] =	vst v57  }
0xea: {  	[tilespmem:$0xAA90] =	vst v0  }
0xeb: {  	v0 =	vld [tilespmem:s2+$0x2A0];
	_ =	sdelay $0x4  }
0xec: {  	v58 =	vand.u32 $0xFFFF, v0  }
0xed: {  	v0 =	vshrl.u32 v0, $0x10;
	[tilespmem:$0xA8A0] =	vst v58  }
0xee: {  	[tilespmem:$0xAAA0] =	vst v0  }
0xef: {  	v0 =	vld [tilespmem:s2+$0x2B0];
	_ =	sdelay $0x4  }
0xf0: {  	v59 =	vand.u32 $0xFFFF, v0  }
0xf1: {  	v0 =	vshrl.u32 v0, $0x10;
	[tilespmem:$0xA8B0] =	vst v59  }
0xf2: {  	[tilespmem:$0xAAB0] =	vst v0  }
0xf3: {  	v0 =	vld [tilespmem:s2+$0x2C0];
	_ =	sdelay $0x4  }
0xf4: {  	v60 =	vand.u32 $0xFFFF, v0  }
0xf5: {  	v0 =	vshrl.u32 v0, $0x10;
	[tilespmem:$0xA8C0] =	vst v60  }
0xf6: {  	[tilespmem:$0xAAC0] =	vst v0  }
0xf7: {  	v0 =	vld [tilespmem:s2+$0x2D0];
	_ =	sdelay $0x4  }
0xf8: {  	v61 =	vand.u32 $0xFFFF, v0  }
0xf9: {  	v0 =	vshrl.u32 v0, $0x10;
	[tilespmem:$0xA8D0] =	vst v61  }
0xfa: {  	[tilespmem:$0xAAD0] =	vst v0  }
0xfb: {  	v0 =	vld [tilespmem:s2+$0x2E0];
	_ =	sdelay $0x4  }
0xfc: {  	v62 =	vand.u32 $0xFFFF, v0  }
0xfd: {  	v0 =	vshrl.u32 v0, $0x10;
	[tilespmem:$0xA8E0] =	vst v62  }
0xfe: {  	[tilespmem:$0xAAE0] =	vst v0  }
0xff: {  	v0 =	vld [tilespmem:s2+$0x2F0];
	_ =	sdelay $0x4  }
0x100: {  	v63 =	vand.u32 $0xFFFF, v0  }
0x101: {  	v0 =	vshrl.u32 v0, $0x10;
	[tilespmem:$0xA8F0] =	vst v63  }
0x102: {  	[tilespmem:$0xAAF0] =	vst v0  }
0x103: {  	_ =	swait.ge [sflag:s26], $0x4000  }
0x104: {  	[sflag:s26] =	ssyncset.done $0x0  }
0x105: {  	[sflag:s26] =	ssyncadd.s32 $0xFFFFC000  }
0x106: {  	[spmem:s1] =	stream.indirect.scatter.add.f32 [tilespmem:s20], [sflag:$0x4], $0x80, s31, s16, $0xb8;
	[tilespmem:$0x1EC00] =	vst v63  }
.Ltmp3:
0x107: {  	_ = 	snop;
	(pc) =	sbr.rel .LBB2_2-.Ltmp3, $4  }
0x108: {  	_ =	swait.ge [sflag:s15], $0x4000  }
0x109: {  	[sflag:s15] =	ssyncset.done $0x0  }
0x10a: {  	s3 =	sadd.s32 $0x800, s3;
	[sflag:s15] =	ssyncadd.s32 $0xFFFFC000  }
0x10b: {  	[tilespmem:s20], [sflag:$0x2] =	stream.indirect.gather [hbm4b:s4+s16], $0x80, s19, s16, $0xb8;
	[tilespmem:$0x1EC00] =	vst v63  }
.LBB2_5:
0x10c: {  	_ =	sfence.sel $0x180000  }
0x10d: {  	[bflag:$0x0] =	sbarrier.arrive $0xFFFF  }
0x10e: {  	_ =	strace $0x90000047  }
0x10f: {  	s0 =	stileid.u32;
	[bflag:$0x2] =	sbarrier.arrive $0xFFFF  }
0x110: {  	p0 =	sne.s32 s0, $0x0;
	s0 =	rddreg [dreg:$0x3]  }
0x111: {  	s0 =	sadd.s32 @!p0 $0x100000, s0  }
0x112: {  	[sflag:s0] =	ssyncadd.tile.s32 @!p0 $0x1;
	_ =	shalt  }
.Lfunc_end2:
_tile_overlayer_lowered:
.L_overlay_start_2:
0x113: {  	(tag) =	ssettag $0x2  }
0x114: {  	s0 =	rddreg [dreg:$0x0];
	s2 =	stileid.u32  }
0x115: {  	s1 =	rddreg [dreg:$0x1];
	p0 =	sne.s32 s2, $0x0  }
0x116: {  	s3 =	rddreg [dreg:$0x2];
	[bflag:$0x3] =	sbarrier.arrive $0xFFFF;
	s2 =	simm.s32 @!p0 $0x1C04  }
0x117: {  	[timem:s3], [sflag:s2] =	dma.local @!p0 [hbm:s0], s1  }
0x118: {  	s0 =	simm.s32 @!p0 $0x4  }
0x119: {  	_ =	swait.ge @!p0 [sflag:s0], s1  }
0x11a: {  	s1 =	ssub.s32 @!p0 $0x0, s1;
	[sflag:s0] =	ssyncset.done @!p0 $0x0  }
0x11b: {  	[sflag:s0] =	ssyncadd.s32 @!p0 s1  }
0x11c: {  	[bflag:$0x3] =	sbarrier.arrive $0xFFFF  }
0x11d: {  	_ =	shalt  }

</sc_bundles>
